<compile_context>
chip_gen: v7x
topology: tpu7x:2x2x1
jax: 0.10.2.dev20260603
libtpu: 0.0.44.dev20260713+nightly
codegen_flags: <defaults>
</compile_context>

<pallas_src>
import functools

import jax
import jax.numpy as jnp
from jax import lax
from jax.experimental import pallas as pl
from jax.experimental.pallas import tpu as pltpu
from jax.experimental.pallas import tpu_sc as plsc

N_NODES = 10000
N_EDGES = 320000
D = 128

NC, NS, LANES = 2, 16, 16
NW = NC * NS
EPW = N_EDGES // NW
CHUNK = 125
NCHUNK = EPW // CHUNK
BLKC = 8
NBLK = NCHUNK // BLKC
RBUF = 128
N_PAD = 10240
RPT = N_PAD // NS


def _agg_body(with_counts, *refs):
    if with_counts:
        (feat, e4, part_out, cnt_out,
         srcv, dring, rows, ones, zv, acc, cnt, sem_i, sem_g0, sem_g1) = refs
    else:
        (feat, e4, part_out,
         srcv, dring, rows, acc, sem_i, sem_g0, sem_g1) = refs

    cid = lax.axis_index("c")
    sid = lax.axis_index("s")
    wid = cid * NS + sid

    pltpu.sync_copy(e4.at[0, wid], srcv)
    pltpu.async_copy(e4.at[1, wid, pl.ds(0, BLKC)], dring.at[pl.ds(0, BLKC)],
                     sem_i)

    def zrow(i, _):
        for j in range(D // LANES):
            rows[i, pl.ds(j * LANES, LANES)] = jnp.zeros((LANES,), jnp.float32)
        return 0
    lax.fori_loop(0, RBUF, zrow, 0)
    base = sid * RPT
    for z in range(RPT // RBUF):
        pltpu.sync_copy(rows.at[pl.ds(0, RBUF)],
                        acc.at[pl.ds(base + z * RBUF, RBUF)])

    if with_counts:
        def zvec(i, _):
            zv[pl.ds(i * LANES, LANES)] = jnp.zeros((LANES,), jnp.float32)
            return 0
        lax.fori_loop(0, RPT // LANES, zvec, 0)
        pltpu.sync_copy(zv, cnt.at[pl.ds(base, RPT)])
        for j in range(RBUF // LANES):
            ones[pl.ds(j * LANES, LANES)] = jnp.ones((LANES,), jnp.float32)

    def gather(g, buf, sem):
        return pltpu.make_async_copy(
            feat.at[srcv.at[g]],
            rows.at[pl.ds(buf * RBUF, CHUNK)], sem)

    gather(0, 0, sem_g0).start()
    gather(1, 1, sem_g1).start()

    plsc.subcore_barrier()

    def step(g, buf, sem, slot, r):
        gather(g, buf, sem).wait()
        didx = dring.at[slot * BLKC + r]
        pltpu.sync_copy(rows.at[pl.ds(buf * RBUF, CHUNK)],
                        acc.at[didx], add=True)
        if with_counts:
            pltpu.sync_copy(ones.at[pl.ds(0, CHUNK)], cnt.at[didx], add=True)

        @pl.when(g + 2 < NCHUNK)
        def _():
            gather(g + 2, buf, sem).start()

    def pair(p, _):
        g0 = 2 * p
        m = p // (BLKC // 2)
        slot = lax.rem(m, 2)
        r0 = lax.rem(g0, BLKC)

        @pl.when(r0 == 0)
        def _():
            pltpu.make_async_copy(
                e4.at[1, wid, pl.ds(m * BLKC, BLKC)],
                dring.at[pl.ds(slot * BLKC, BLKC)], sem_i).wait()

        step(g0, 0, sem_g0, slot, r0)
        step(g0 + 1, 1, sem_g1, slot, r0 + 1)

        @pl.when((r0 == BLKC // 2) & (m + 1 < NBLK))
        def _():
            pltpu.async_copy(
                e4.at[1, wid, pl.ds((m + 1) * BLKC, BLKC)],
                dring.at[pl.ds(lax.rem(m + 1, 2) * BLKC, BLKC)], sem_i)
        return 0

    lax.fori_loop(0, NCHUNK // 2, pair, 0)

    plsc.subcore_barrier()

    pltpu.sync_copy(acc.at[pl.ds(base, RPT)], part_out.at[cid, pl.ds(base, RPT)])
    if with_counts:
        pltpu.sync_copy(cnt.at[pl.ds(base, RPT)], cnt_out.at[cid, pl.ds(base, RPT)])


def _make_agg(with_counts):
    out_type = [jax.ShapeDtypeStruct((NC, N_PAD, D), jnp.float32)]
    scratch = [
        pltpu.VMEM((NCHUNK, CHUNK), jnp.int32),
        pltpu.VMEM((2 * BLKC, CHUNK), jnp.int32),
        pltpu.VMEM((2 * RBUF, D), jnp.float32),
    ]
    if with_counts:
        out_type.append(jax.ShapeDtypeStruct((NC, N_PAD), jnp.float32))
        scratch += [
            pltpu.VMEM((RBUF,), jnp.float32),
            pltpu.VMEM((RPT,), jnp.float32),
        ]
    scratch.append(pltpu.VMEM_SHARED((N_PAD, D), jnp.float32))
    if with_counts:
        scratch.append(pltpu.VMEM_SHARED((N_PAD,), jnp.float32))
    scratch += [pltpu.SemaphoreType.DMA] * 3
    mesh = plsc.VectorSubcoreMesh(
        core_axis_name="c", subcore_axis_name="s",
        num_cores=NC, num_subcores=NS)
    return pl.kernel(
        functools.partial(_agg_body, with_counts),
        out_type=out_type, mesh=mesh, scratch_types=scratch)


_agg_with_counts = _make_agg(True)
_agg_no_counts = _make_agg(False)


def _dense_body(relu, p_ref, c_ref, xr, wl, bl, o_ref):
    cnt = jnp.maximum(c_ref[...], 1.0)
    mean = (p_ref[0] + p_ref[1]) / cnt
    y = (jnp.dot(mean, wl[...], preferred_element_type=jnp.float32)
         + bl[...] + xr[...])
    o_ref[...] = jnp.maximum(y, 0.0) if relu else y


def _xr_body(x, wr, o_ref):
    o_ref[...] = jnp.dot(x[...], wr[...], preferred_element_type=jnp.float32)


_BLK = 2000


def _row_specs():
    row_spec = pl.BlockSpec((_BLK, D), lambda i: (i, 0))
    w_spec = pl.BlockSpec((D, D), lambda i: (0, 0))
    return row_spec, w_spec


def _xr(x, wr):
    row_spec, w_spec = _row_specs()
    return pl.pallas_call(
        _xr_body,
        grid=(N_NODES // _BLK,),
        in_specs=[row_spec, w_spec],
        out_specs=row_spec,
        out_shape=jax.ShapeDtypeStruct((N_NODES, D), jnp.float32),
    )(x, wr)


def _dense(part, cvec, xr, wl, bl, relu):
    row_spec, w_spec = _row_specs()
    p_spec = pl.BlockSpec((NC, _BLK, D), lambda i: (0, i, 0))
    c_spec = pl.BlockSpec((_BLK, 1), lambda i: (i, 0))
    b_spec = pl.BlockSpec((1, D), lambda i: (0, 0))
    return pl.pallas_call(
        functools.partial(_dense_body, relu),
        grid=(N_NODES // _BLK,),
        in_specs=[p_spec, c_spec, row_spec, w_spec, b_spec],
        out_specs=row_spec,
        out_shape=jax.ShapeDtypeStruct((N_NODES, D), jnp.float32),
    )(part, cvec, xr, wl, bl)


def kernel(x, edge_index, W_l1, b_l1, W_r1, W_l2, b_l2, W_r2):
    e4 = edge_index.reshape(2, NW, NCHUNK, CHUNK)

    xr1 = _xr(x, W_r1)
    part1, cnt = _agg_with_counts(x, e4)
    cvec = (cnt[0, :N_NODES] + cnt[1, :N_NODES])[:, None]
    h = _dense(part1, cvec, xr1, W_l1, b_l1.reshape(1, D), relu=True)

    xr2 = _xr(h, W_r2)
    (part2,) = _agg_no_counts(h, e4)
    out = _dense(part2, cvec, xr2, W_l2, b_l2.reshape(1, D), relu=False)
    return out

# --- scband reference (transcript-rebuilt; emitter-appended) ---
"""Pipeline reference for scband-gnnmodel-16827681865964 (READ-ONLY COPY).

The authoritative reference and input builder live on the scoring server;
editing this copy changes nothing except your own understanding.
"""

import jax, jax.numpy as jnp
import numpy as np

N_NODES = 10000
N_EDGES = 320000
D_IN = 128
D_HID = 128


def setup_inputs(seed: int = 0) -> dict:
    key = jax.random.key(seed)
    ks = jax.random.split(key, 9)
    x = jax.random.normal(ks[0], (N_NODES, D_IN), dtype=jnp.float32)
    edge_index = jax.random.randint(ks[1], (2, N_EDGES), 0, N_NODES, dtype=jnp.int32)
    s_in = 1.0 / np.sqrt(D_IN)
    s_hid = 1.0 / np.sqrt(D_HID)
    # SAGEConv layer 1: lin_l (applied to aggregated neighbors, has bias), lin_r (root, no bias)
    W_l1 = jax.random.uniform(ks[2], (D_IN, D_HID), dtype=jnp.float32, minval=-s_in, maxval=s_in)
    b_l1 = jax.random.uniform(ks[3], (D_HID,), dtype=jnp.float32, minval=-s_in, maxval=s_in)
    W_r1 = jax.random.uniform(ks[4], (D_IN, D_HID), dtype=jnp.float32, minval=-s_in, maxval=s_in)
    # SAGEConv layer 2
    W_l2 = jax.random.uniform(ks[5], (D_HID, D_HID), dtype=jnp.float32, minval=-s_hid, maxval=s_hid)
    b_l2 = jax.random.uniform(ks[6], (D_HID,), dtype=jnp.float32, minval=-s_hid, maxval=s_hid)
    W_r2 = jax.random.uniform(ks[7], (D_HID, D_HID), dtype=jnp.float32, minval=-s_hid, maxval=s_hid)
    return {"x": x, "edge_index": edge_index, "W_l1": W_l1, "b_l1": b_l1, "W_r1": W_r1,
            "W_l2": W_l2, "b_l2": b_l2, "W_r2": W_r2}


def _sage_conv(x, edge_index, W_l, b_l, W_r, num_nodes):
    # GraphSAGE with mean aggregation (PyG SAGEConv default):
    # out = lin_l(mean_{j in N(i)} x_j) + lin_r(x_i)
    src = edge_index[0]
    dst = edge_index[1]
    msgs = jnp.take(x, src, axis=0)  # gather source features
    agg = jax.ops.segment_sum(msgs, dst, num_segments=num_nodes)  # scatter-add by dst
    cnt = jax.ops.segment_sum(jnp.ones((msgs.shape[0], 1), dtype=x.dtype), dst, num_segments=num_nodes)
    mean_agg = agg / jnp.clip(cnt, 1.0, None)
    return mean_agg @ W_l + b_l + x @ W_r


def reference(x, edge_index, W_l1, b_l1, W_r1, W_l2, b_l2, W_r2):
    num_nodes = x.shape[0]
    h = jax.nn.relu(_sage_conv(x, edge_index, W_l1, b_l1, W_r1, num_nodes))
    out = _sage_conv(h, edge_index, W_l2, b_l2, W_r2, num_nodes)
    return out

if __name__ == "__main__":
    import jax
    _d = setup_inputs()
    print(jax.jit(kernel)(*tuple(_d.values())))

</pallas_src>

<mosaic_0001>
#map = affine_map<(d0, d1) -> (0, 0)>
#map1 = affine_map<(d0, d1) -> (0, 0, 0, 0)>
#map2 = affine_map<(d0, d1) -> (0, 0, 0)>
module attributes {stable_mosaic.version = 14 : i64} {
  func.func @_agg_body(%arg0: i32, %arg1: i32, %arg2: memref<10000x128xf32, #tpu.memory_space<hbm>>, %arg3: memref<2x32x80x125xi32, #tpu.memory_space<hbm>>, %arg4: memref<2x10240x128xf32, #tpu.memory_space<hbm>>, %arg5: memref<2x10240xf32, #tpu.memory_space<hbm>>, %arg6: memref<80x125xi32, #tpu.memory_space<vmem>>, %arg7: memref<16x125xi32, #tpu.memory_space<vmem>>, %arg8: memref<256x128xf32, #tpu.memory_space<vmem>>, %arg9: memref<128xf32, #tpu.memory_space<vmem>>, %arg10: memref<640xf32, #tpu.memory_space<vmem>>, %arg11: memref<10240x128xf32, #tpu.memory_space<vmem_shared>>, %arg12: memref<10240xf32, #tpu.memory_space<vmem_shared>>, %arg13: memref<!tpu.dma_semaphore, #tpu.memory_space<semaphore_mem>>, %arg14: memref<!tpu.dma_semaphore, #tpu.memory_space<semaphore_mem>>, %arg15: memref<!tpu.dma_semaphore, #tpu.memory_space<semaphore_mem>>) attributes {dimension_semantics = [#tpu.dimension_semantics<core_parallel>, #tpu.dimension_semantics<subcore_parallel>], iteration_bounds = array<i64: 2, 16>, scalar_prefetch = 0 : i64, scratch_operands = 10 : i64, tpu.core_type = #tpu.core_type<sc_vector_subcore>, window_params = [{transform_indices = #map}, {transform_indices = #map1}, {transform_indices = #map2}, {transform_indices = #map}]} {
    %mul3A = arith.constant 16 : i32
    %mul3A_0 = arith.muli %arg0, %mul3A : i32
    %add3A = arith.addi %mul3A_0, %arg1 : i32
    %run_scoped3A = arith.constant 0 : i32
    "tpu.region"() ({
      %run_scoped3A_114 = tpu.sem_alloc : memref<!tpu.dma_semaphore, #tpu.memory_space<semaphore_mem>>
      %dma_start3A_115 = arith.constant 0 : i32
      %dma_start3A_116 = arith.constant 0 : i32
      %dma_start3A_117 = tpu.memref_slice %arg3[%run_scoped3A, %add3A, %dma_start3A_115, %dma_start3A_116] : memref<2x32x80x125xi32, #tpu.memory_space<hbm>> -> memref<1x1x80x125xi32, #tpu.memory_space<hbm>>
      %dma_start3A_118 = tpu.memref_squeeze %dma_start3A_117 : memref<1x1x80x125xi32, #tpu.memory_space<hbm>> -> memref<80x125xi32, #tpu.memory_space<hbm>>
      %dma_start3A_119 = arith.constant 0 : i32
      %dma_start3A_120 = arith.constant 0 : i32
      %dma_start3A_121 = tpu.memref_slice %arg3[%run_scoped3A, %add3A, %dma_start3A_119, %dma_start3A_120] : memref<2x32x80x125xi32, #tpu.memory_space<hbm>> -> memref<1x1x80x125xi32, #tpu.memory_space<hbm>>
      %dma_start3A_122 = tpu.memref_squeeze %dma_start3A_121 : memref<1x1x80x125xi32, #tpu.memory_space<hbm>> -> memref<80x125xi32, #tpu.memory_space<hbm>>
      tpu.enqueue_dma source(%dma_start3A_122 : memref<80x125xi32, #tpu.memory_space<hbm>>) target(%arg6 : memref<80x125xi32, #tpu.memory_space<vmem>>) target_semaphore(%run_scoped3A_114 : memref<!tpu.dma_semaphore, #tpu.memory_space<semaphore_mem>>)
      %dma_wait3A = arith.constant 0 : i32
      %dma_wait3A_123 = arith.constant 0 : i32
      %dma_wait3A_124 = tpu.memref_slice %arg3[%run_scoped3A, %add3A, %dma_wait3A, %dma_wait3A_123] : memref<2x32x80x125xi32, #tpu.memory_space<hbm>> -> memref<1x1x80x125xi32, #tpu.memory_space<hbm>>
      %dma_wait3A_125 = tpu.memref_squeeze %dma_wait3A_124 : memref<1x1x80x125xi32, #tpu.memory_space<hbm>> -> memref<80x125xi32, #tpu.memory_space<hbm>>
      %dma_wait3A_126 = arith.constant 0 : i32
      %dma_wait3A_127 = arith.constant 0 : i32
      %dma_wait3A_128 = tpu.memref_slice %arg3[%run_scoped3A, %add3A, %dma_wait3A_126, %dma_wait3A_127] : memref<2x32x80x125xi32, #tpu.memory_space<hbm>> -> memref<1x1x80x125xi32, #tpu.memory_space<hbm>>
      %dma_wait3A_129 = tpu.memref_squeeze %dma_wait3A_128 : memref<1x1x80x125xi32, #tpu.memory_space<hbm>> -> memref<80x125xi32, #tpu.memory_space<hbm>>
      tpu.wait_dma2 semaphore(%run_scoped3A_114 : memref<!tpu.dma_semaphore, #tpu.memory_space<semaphore_mem>>) src(%dma_wait3A_129 : memref<80x125xi32, #tpu.memory_space<hbm>>) dst(%arg6 : memref<80x125xi32, #tpu.memory_space<vmem>>)
      tpu.yield
    }) : () -> ()
    %dma_start3A = arith.constant 1 : i32
    %dma_start3A_1 = arith.constant 0 : i32
    %dma_start3A_2 = arith.constant 0 : i32
    %dma_start3A_3 = tpu.memref_slice %arg7[%dma_start3A_1, %dma_start3A_2] : memref<16x125xi32, #tpu.memory_space<vmem>> -> memref<8x125xi32, #tpu.memory_space<vmem>>
    %dma_start3A_4 = arith.constant 0 : i32
    %dma_start3A_5 = arith.constant 0 : i32
    %dma_start3A_6 = tpu.memref_slice %arg3[%dma_start3A, %add3A, %dma_start3A_4, %dma_start3A_5] : memref<2x32x80x125xi32, #tpu.memory_space<hbm>> -> memref<1x1x8x125xi32, #tpu.memory_space<hbm>>
    %dma_start3A_7 = tpu.memref_squeeze %dma_start3A_6 : memref<1x1x8x125xi32, #tpu.memory_space<hbm>> -> memref<8x125xi32, #tpu.memory_space<hbm>>
    %dma_start3A_8 = arith.constant 0 : i32
    %dma_start3A_9 = arith.constant 0 : i32
    %dma_start3A_10 = tpu.memref_slice %arg7[%dma_start3A_8, %dma_start3A_9] : memref<16x125xi32, #tpu.memory_space<vmem>> -> memref<8x125xi32, #tpu.memory_space<vmem>>
    %dma_start3A_11 = arith.constant 0 : i32
    %dma_start3A_12 = arith.constant 0 : i32
    %dma_start3A_13 = tpu.memref_slice %arg3[%dma_start3A, %add3A, %dma_start3A_11, %dma_start3A_12] : memref<2x32x80x125xi32, #tpu.memory_space<hbm>> -> memref<1x1x8x125xi32, #tpu.memory_space<hbm>>
    %dma_start3A_14 = tpu.memref_squeeze %dma_start3A_13 : memref<1x1x8x125xi32, #tpu.memory_space<hbm>> -> memref<8x125xi32, #tpu.memory_space<hbm>>
    tpu.enqueue_dma source(%dma_start3A_14 : memref<8x125xi32, #tpu.memory_space<hbm>>) target(%dma_start3A_10 : memref<8x125xi32, #tpu.memory_space<vmem>>) target_semaphore(%arg13 : memref<!tpu.dma_semaphore, #tpu.memory_space<semaphore_mem>>)
    %scan3A = arith.constant 0 : i32
    %scan3A_15 = arith.constant 0 : i32
    %scan3A_16 = arith.constant 128 : i32
    %scan3A_17 = arith.addi %scan3A_15, %scan3A_16 : i32
    %scan3A_18 = arith.constant 1 : i32
    %scan3A_19 = scf.for %scan3A_114 = %scan3A_15 to %scan3A_17 step %scan3A_18 iter_args(%scan3A_115 = %scan3A) -> (i32)  : i32 {
      %broadcast_in_dim3A_116 = arith.constant 0.000000e+00 : f32
      %broadcast_in_dim3A_117 = vector.broadcast %broadcast_in_dim3A_116 : f32 to vector<16xf32>
      %swap3A_118 = arith.index_cast %scan3A_114 : i32 to index
      %swap3A_119 = arith.constant 0 : index
      %swap3A_120 = tpu.vector_load %arg8[%swap3A_118, %swap3A_119] {strides = array<i32>} : memref<256x128xf32, #tpu.memory_space<vmem>>, vector<1x16xf32>,
      %swap3A_121 = vector.shape_cast %swap3A_120 : vector<1x16xf32> to vector<16xf32>
      %swap3A_122 = vector.shape_cast %broadcast_in_dim3A_117 : vector<16xf32> to vector<1x16xf32>
      tpu.vector_store %arg8[%swap3A_118, %swap3A_119], %swap3A_122 {strides = array<i32>} : memref<256x128xf32, #tpu.memory_space<vmem>>, vector<1x16xf32>,
      %broadcast_in_dim3A_123 = arith.constant 0.000000e+00 : f32
      %broadcast_in_dim3A_124 = vector.broadcast %broadcast_in_dim3A_123 : f32 to vector<16xf32>
      %swap3A_125 = arith.index_cast %scan3A_114 : i32 to index
      %swap3A_126 = arith.constant 16 : index
      %swap3A_127 = tpu.vector_load %arg8[%swap3A_125, %swap3A_126] {strides = array<i32>} : memref<256x128xf32, #tpu.memory_space<vmem>>, vector<1x16xf32>,
      %swap3A_128 = vector.shape_cast %swap3A_127 : vector<1x16xf32> to vector<16xf32>
      %swap3A_129 = vector.shape_cast %broadcast_in_dim3A_124 : vector<16xf32> to vector<1x16xf32>
      tpu.vector_store %arg8[%swap3A_125, %swap3A_126], %swap3A_129 {strides = array<i32>} : memref<256x128xf32, #tpu.memory_space<vmem>>, vector<1x16xf32>,
      %broadcast_in_dim3A_130 = arith.constant 0.000000e+00 : f32
      %broadcast_in_dim3A_131 = vector.broadcast %broadcast_in_dim3A_130 : f32 to vector<16xf32>
      %swap3A_132 = arith.index_cast %scan3A_114 : i32 to index
      %swap3A_133 = arith.constant 32 : index
      %swap3A_134 = tpu.vector_load %arg8[%swap3A_132, %swap3A_133] {strides = array<i32>} : memref<256x128xf32, #tpu.memory_space<vmem>>, vector<1x16xf32>,
      %swap3A_135 = vector.shape_cast %swap3A_134 : vector<1x16xf32> to vector<16xf32>
      %swap3A_136 = vector.shape_cast %broadcast_in_dim3A_131 : vector<16xf32> to vector<1x16xf32>
      tpu.vector_store %arg8[%swap3A_132, %swap3A_133], %swap3A_136 {strides = array<i32>} : memref<256x128xf32, #tpu.memory_space<vmem>>, vector<1x16xf32>,
      %broadcast_in_dim3A_137 = arith.constant 0.000000e+00 : f32
      %broadcast_in_dim3A_138 = vector.broadcast %broadcast_in_dim3A_137 : f32 to vector<16xf32>
      %swap3A_139 = arith.index_cast %scan3A_114 : i32 to index
      %swap3A_140 = arith.constant 48 : index
      %swap3A_141 = tpu.vector_load %arg8[%swap3A_139, %swap3A_140] {strides = array<i32>} : memref<256x128xf32, #tpu.memory_space<vmem>>, vector<1x16xf32>,
      %swap3A_142 = vector.shape_cast %swap3A_141 : vector<1x16xf32> to vector<16xf32>
      %swap3A_143 = vector.shape_cast %broadcast_in_dim3A_138 : vector<16xf32> to vector<1x16xf32>
      tpu.vector_store %arg8[%swap3A_139, %swap3A_140], %swap3A_143 {strides = array<i32>} : memref<256x128xf32, #tpu.memory_space<vmem>>, vector<1x16xf32>,
      %broadcast_in_dim3A_144 = arith.constant 0.000000e+00 : f32
      %broadcast_in_dim3A_145 = vector.broadcast %broadcast_in_dim3A_144 : f32 to vector<16xf32>
      %swap3A_146 = arith.index_cast %scan3A_114 : i32 to index
      %swap3A_147 = arith.constant 64 : index
      %swap3A_148 = tpu.vector_load %arg8[%swap3A_146, %swap3A_147] {strides = array<i32>} : memref<256x128xf32, #tpu.memory_space<vmem>>, vector<1x16xf32>,
      %swap3A_149 = vector.shape_cast %swap3A_148 : vector<1x16xf32> to vector<16xf32>
      %swap3A_150 = vector.shape_cast %broadcast_in_dim3A_145 : vector<16xf32> to vector<1x16xf32>
      tpu.vector_store %arg8[%swap3A_146, %swap3A_147], %swap3A_150 {strides = array<i32>} : memref<256x128xf32, #tpu.memory_space<vmem>>, vector<1x16xf32>,
      %broadcast_in_dim3A_151 = arith.constant 0.000000e+00 : f32
      %broadcast_in_dim3A_152 = vector.broadcast %broadcast_in_dim3A_151 : f32 to vector<16xf32>
      %swap3A_153 = arith.index_cast %scan3A_114 : i32 to index
      %swap3A_154 = arith.constant 80 : index
      %swap3A_155 = tpu.vector_load %arg8[%swap3A_153, %swap3A_154] {strides = array<i32>} : memref<256x128xf32, #tpu.memory_space<vmem>>, vector<1x16xf32>,
      %swap3A_156 = vector.shape_cast %swap3A_155 : vector<1x16xf32> to vector<16xf32>
      %swap3A_157 = vector.shape_cast %broadcast_in_dim3A_152 : vector<16xf32> to vector<1x16xf32>
      tpu.vector_store %arg8[%swap3A_153, %swap3A_154], %swap3A_157 {strides = array<i32>} : memref<256x128xf32, #tpu.memory_space<vmem>>, vector<1x16xf32>,
      %broadcast_in_dim3A_158 = arith.constant 0.000000e+00 : f32
      %broadcast_in_dim3A_159 = vector.broadcast %broadcast_in_dim3A_158 : f32 to vector<16xf32>
      %swap3A_160 = arith.index_cast %scan3A_114 : i32 to index
      %swap3A_161 = arith.constant 96 : index
      %swap3A_162 = tpu.vector_load %arg8[%swap3A_160, %swap3A_161] {strides = array<i32>} : memref<256x128xf32, #tpu.memory_space<vmem>>, vector<1x16xf32>,
      %swap3A_163 = vector.shape_cast %swap3A_162 : vector<1x16xf32> to vector<16xf32>
      %swap3A_164 = vector.shape_cast %broadcast_in_dim3A_159 : vector<16xf32> to vector<1x16xf32>
      tpu.vector_store %arg8[%swap3A_160, %swap3A_161], %swap3A_164 {strides = array<i32>} : memref<256x128xf32, #tpu.memory_space<vmem>>, vector<1x16xf32>,
      %broadcast_in_dim3A_165 = arith.constant 0.000000e+00 : f32
      %broadcast_in_dim3A_166 = vector.broadcast %broadcast_in_dim3A_165 : f32 to vector<16xf32>
      %swap3A_167 = arith.index_cast %scan3A_114 : i32 to index
      %swap3A_168 = arith.constant 112 : index
      %swap3A_169 = tpu.vector_load %arg8[%swap3A_167, %swap3A_168] {strides = array<i32>} : memref<256x128xf32, #tpu.memory_space<vmem>>, vector<1x16xf32>,
      %swap3A_170 = vector.shape_cast %swap3A_169 : vector<1x16xf32> to vector<16xf32>
      %swap3A_171 = vector.shape_cast %broadcast_in_dim3A_166 : vector<16xf32> to vector<1x16xf32>
      tpu.vector_store %arg8[%swap3A_167, %swap3A_168], %swap3A_171 {strides = array<i32>} : memref<256x128xf32, #tpu.memory_space<vmem>>, vector<1x16xf32>,
      %scan3A_172 = arith.constant 0 : i32
      scf.yield %scan3A_172 : i32
    }
    %scan3A_20 = arith.constant 128 : i32
    %mul3A_21 = arith.constant 640 : i32
    %mul3A_22 = arith.muli %arg1, %mul3A_21 : i32
    %add3A_23 = arith.constant 0 : i32
    %add3A_24 = arith.addi %mul3A_22, %add3A_23 : i32
    "tpu.region"() ({
      %run_scoped3A_114 = tpu.sem_alloc : memref<!tpu.dma_semaphore, #tpu.memory_space<semaphore_mem>>
      %dma_start3A_115 = arith.constant 0 : i32
      %dma_start3A_116 = arith.constant 0 : i32
      %dma_start3A_117 = tpu.memref_slice %arg8[%dma_start3A_115, %dma_start3A_116] : memref<256x128xf32, #tpu.memory_space<vmem>> -> memref<128x128xf32, #tpu.memory_space<vmem>>
      %dma_start3A_118 = arith.constant 0 : i32
      %dma_start3A_119 = tpu.memref_slice %arg11[%add3A_24, %dma_start3A_118] : memref<10240x128xf32, #tpu.memory_space<vmem_shared>> -> memref<128x128xf32, #tpu.memory_space<vmem_shared>>
      %dma_start3A_120 = arith.constant 0 : i32
      %dma_start3A_121 = tpu.memref_slice %arg11[%add3A_24, %dma_start3A_120] : memref<10240x128xf32, #tpu.memory_space<vmem_shared>> -> memref<128x128xf32, #tpu.memory_space<vmem_shared>>
      %dma_start3A_122 = arith.constant 0 : i32
      %dma_start3A_123 = arith.constant 0 : i32
      %dma_start3A_124 = tpu.memref_slice %arg8[%dma_start3A_122, %dma_start3A_123] : memref<256x128xf32, #tpu.memory_space<vmem>> -> memref<128x128xf32, #tpu.memory_space<vmem>>
      tpu.enqueue_dma source(%dma_start3A_124 : memref<128x128xf32, #tpu.memory_space<vmem>>) target(%dma_start3A_121 : memref<128x128xf32, #tpu.memory_space<vmem_shared>>) target_semaphore(%run_scoped3A_114 : memref<!tpu.dma_semaphore, #tpu.memory_space<semaphore_mem>>)
      %dma_wait3A = arith.constant 0 : i32
      %dma_wait3A_125 = arith.constant 0 : i32
      %dma_wait3A_126 = tpu.memref_slice %arg8[%dma_wait3A, %dma_wait3A_125] : memref<256x128xf32, #tpu.memory_space<vmem>> -> memref<128x128xf32, #tpu.memory_space<vmem>>
      %dma_wait3A_127 = arith.constant 0 : i32
      %dma_wait3A_128 = tpu.memref_slice %arg11[%add3A_24, %dma_wait3A_127] : memref<10240x128xf32, #tpu.memory_space<vmem_shared>> -> memref<128x128xf32, #tpu.memory_space<vmem_shared>>
      %dma_wait3A_129 = arith.constant 0 : i32
      %dma_wait3A_130 = tpu.memref_slice %arg11[%add3A_24, %dma_wait3A_129] : memref<10240x128xf32, #tpu.memory_space<vmem_shared>> -> memref<128x128xf32, #tpu.memory_space<vmem_shared>>
      %dma_wait3A_131 = arith.constant 0 : i32
      %dma_wait3A_132 = arith.constant 0 : i32
      %dma_wait3A_133 = tpu.memref_slice %arg8[%dma_wait3A_131, %dma_wait3A_132] : memref<256x128xf32, #tpu.memory_space<vmem>> -> memref<128x128xf32, #tpu.memory_space<vmem>>
      tpu.wait_dma2 semaphore(%run_scoped3A_114 : memref<!tpu.dma_semaphore, #tpu.memory_space<semaphore_mem>>) src(%dma_wait3A_133 : memref<128x128xf32, #tpu.memory_space<vmem>>) dst(%dma_wait3A_130 : memref<128x128xf32, #tpu.memory_space<vmem_shared>>)
      tpu.yield
    }) : () -> ()
    %add3A_25 = arith.constant 128 : i32
    %add3A_26 = arith.addi %mul3A_22, %add3A_25 : i32
    "tpu.region"() ({
      %run_scoped3A_114 = tpu.sem_alloc : memref<!tpu.dma_semaphore, #tpu.memory_space<semaphore_mem>>
      %dma_start3A_115 = arith.constant 0 : i32
      %dma_start3A_116 = arith.constant 0 : i32
      %dma_start3A_117 = tpu.memref_slice %arg8[%dma_start3A_115, %dma_start3A_116] : memref<256x128xf32, #tpu.memory_space<vmem>> -> memref<128x128xf32, #tpu.memory_space<vmem>>
      %dma_start3A_118 = arith.constant 0 : i32
      %dma_start3A_119 = tpu.memref_slice %arg11[%add3A_26, %dma_start3A_118] : memref<10240x128xf32, #tpu.memory_space<vmem_shared>> -> memref<128x128xf32, #tpu.memory_space<vmem_shared>>
      %dma_start3A_120 = arith.constant 0 : i32
      %dma_start3A_121 = tpu.memref_slice %arg11[%add3A_26, %dma_start3A_120] : memref<10240x128xf32, #tpu.memory_space<vmem_shared>> -> memref<128x128xf32, #tpu.memory_space<vmem_shared>>
      %dma_start3A_122 = arith.constant 0 : i32
      %dma_start3A_123 = arith.constant 0 : i32
      %dma_start3A_124 = tpu.memref_slice %arg8[%dma_start3A_122, %dma_start3A_123] : memref<256x128xf32, #tpu.memory_space<vmem>> -> memref<128x128xf32, #tpu.memory_space<vmem>>
      tpu.enqueue_dma source(%dma_start3A_124 : memref<128x128xf32, #tpu.memory_space<vmem>>) target(%dma_start3A_121 : memref<128x128xf32, #tpu.memory_space<vmem_shared>>) target_semaphore(%run_scoped3A_114 : memref<!tpu.dma_semaphore, #tpu.memory_space<semaphore_mem>>)
      %dma_wait3A = arith.constant 0 : i32
      %dma_wait3A_125 = arith.constant 0 : i32
      %dma_wait3A_126 = tpu.memref_slice %arg8[%dma_wait3A, %dma_wait3A_125] : memref<256x128xf32, #tpu.memory_space<vmem>> -> memref<128x128xf32, #tpu.memory_space<vmem>>
      %dma_wait3A_127 = arith.constant 0 : i32
      %dma_wait3A_128 = tpu.memref_slice %arg11[%add3A_26, %dma_wait3A_127] : memref<10240x128xf32, #tpu.memory_space<vmem_shared>> -> memref<128x128xf32, #tpu.memory_space<vmem_shared>>
      %dma_wait3A_129 = arith.constant 0 : i32
      %dma_wait3A_130 = tpu.memref_slice %arg11[%add3A_26, %dma_wait3A_129] : memref<10240x128xf32, #tpu.memory_space<vmem_shared>> -> memref<128x128xf32, #tpu.memory_space<vmem_shared>>
      %dma_wait3A_131 = arith.constant 0 : i32
      %dma_wait3A_132 = arith.constant 0 : i32
      %dma_wait3A_133 = tpu.memref_slice %arg8[%dma_wait3A_131, %dma_wait3A_132] : memref<256x128xf32, #tpu.memory_space<vmem>> -> memref<128x128xf32, #tpu.memory_space<vmem>>
      tpu.wait_dma2 semaphore(%run_scoped3A_114 : memref<!tpu.dma_semaphore, #tpu.memory_space<semaphore_mem>>) src(%dma_wait3A_133 : memref<128x128xf32, #tpu.memory_space<vmem>>) dst(%dma_wait3A_130 : memref<128x128xf32, #tpu.memory_space<vmem_shared>>)
      tpu.yield
    }) : () -> ()
    %add3A_27 = arith.constant 256 : i32
    %add3A_28 = arith.addi %mul3A_22, %add3A_27 : i32
    "tpu.region"() ({
      %run_scoped3A_114 = tpu.sem_alloc : memref<!tpu.dma_semaphore, #tpu.memory_space<semaphore_mem>>
      %dma_start3A_115 = arith.constant 0 : i32
      %dma_start3A_116 = arith.constant 0 : i32
      %dma_start3A_117 = tpu.memref_slice %arg8[%dma_start3A_115, %dma_start3A_116] : memref<256x128xf32, #tpu.memory_space<vmem>> -> memref<128x128xf32, #tpu.memory_space<vmem>>
      %dma_start3A_118 = arith.constant 0 : i32
      %dma_start3A_119 = tpu.memref_slice %arg11[%add3A_28, %dma_start3A_118] : memref<10240x128xf32, #tpu.memory_space<vmem_shared>> -> memref<128x128xf32, #tpu.memory_space<vmem_shared>>
      %dma_start3A_120 = arith.constant 0 : i32
      %dma_start3A_121 = tpu.memref_slice %arg11[%add3A_28, %dma_start3A_120] : memref<10240x128xf32, #tpu.memory_space<vmem_shared>> -> memref<128x128xf32, #tpu.memory_space<vmem_shared>>
      %dma_start3A_122 = arith.constant 0 : i32
      %dma_start3A_123 = arith.constant 0 : i32
      %dma_start3A_124 = tpu.memref_slice %arg8[%dma_start3A_122, %dma_start3A_123] : memref<256x128xf32, #tpu.memory_space<vmem>> -> memref<128x128xf32, #tpu.memory_space<vmem>>
      tpu.enqueue_dma source(%dma_start3A_124 : memref<128x128xf32, #tpu.memory_space<vmem>>) target(%dma_start3A_121 : memref<128x128xf32, #tpu.memory_space<vmem_shared>>) target_semaphore(%run_scoped3A_114 : memref<!tpu.dma_semaphore, #tpu.memory_space<semaphore_mem>>)
      %dma_wait3A = arith.constant 0 : i32
      %dma_wait3A_125 = arith.constant 0 : i32
      %dma_wait3A_126 = tpu.memref_slice %arg8[%dma_wait3A, %dma_wait3A_125] : memref<256x128xf32, #tpu.memory_space<vmem>> -> memref<128x128xf32, #tpu.memory_space<vmem>>
      %dma_wait3A_127 = arith.constant 0 : i32
      %dma_wait3A_128 = tpu.memref_slice %arg11[%add3A_28, %dma_wait3A_127] : memref<10240x128xf32, #tpu.memory_space<vmem_shared>> -> memref<128x128xf32, #tpu.memory_space<vmem_shared>>
      %dma_wait3A_129 = arith.constant 0 : i32
      %dma_wait3A_130 = tpu.memref_slice %arg11[%add3A_28, %dma_wait3A_129] : memref<10240x128xf32, #tpu.memory_space<vmem_shared>> -> memref<128x128xf32, #tpu.memory_space<vmem_shared>>
      %dma_wait3A_131 = arith.constant 0 : i32
      %dma_wait3A_132 = arith.constant 0 : i32
      %dma_wait3A_133 = tpu.memref_slice %arg8[%dma_wait3A_131, %dma_wait3A_132] : memref<256x128xf32, #tpu.memory_space<vmem>> -> memref<128x128xf32, #tpu.memory_space<vmem>>
      tpu.wait_dma2 semaphore(%run_scoped3A_114 : memref<!tpu.dma_semaphore, #tpu.memory_space<semaphore_mem>>) src(%dma_wait3A_133 : memref<128x128xf32, #tpu.memory_space<vmem>>) dst(%dma_wait3A_130 : memref<128x128xf32, #tpu.memory_space<vmem_shared>>)
      tpu.yield
    }) : () -> ()
    %add3A_29 = arith.constant 384 : i32
    %add3A_30 = arith.addi %mul3A_22, %add3A_29 : i32
    "tpu.region"() ({
      %run_scoped3A_114 = tpu.sem_alloc : memref<!tpu.dma_semaphore, #tpu.memory_space<semaphore_mem>>
      %dma_start3A_115 = arith.constant 0 : i32
      %dma_start3A_116 = arith.constant 0 : i32
      %dma_start3A_117 = tpu.memref_slice %arg8[%dma_start3A_115, %dma_start3A_116] : memref<256x128xf32, #tpu.memory_space<vmem>> -> memref<128x128xf32, #tpu.memory_space<vmem>>
      %dma_start3A_118 = arith.constant 0 : i32
      %dma_start3A_119 = tpu.memref_slice %arg11[%add3A_30, %dma_start3A_118] : memref<10240x128xf32, #tpu.memory_space<vmem_shared>> -> memref<128x128xf32, #tpu.memory_space<vmem_shared>>
      %dma_start3A_120 = arith.constant 0 : i32
      %dma_start3A_121 = tpu.memref_slice %arg11[%add3A_30, %dma_start3A_120] : memref<10240x128xf32, #tpu.memory_space<vmem_shared>> -> memref<128x128xf32, #tpu.memory_space<vmem_shared>>
      %dma_start3A_122 = arith.constant 0 : i32
      %dma_start3A_123 = arith.constant 0 : i32
      %dma_start3A_124 = tpu.memref_slice %arg8[%dma_start3A_122, %dma_start3A_123] : memref<256x128xf32, #tpu.memory_space<vmem>> -> memref<128x128xf32, #tpu.memory_space<vmem>>
      tpu.enqueue_dma source(%dma_start3A_124 : memref<128x128xf32, #tpu.memory_space<vmem>>) target(%dma_start3A_121 : memref<128x128xf32, #tpu.memory_space<vmem_shared>>) target_semaphore(%run_scoped3A_114 : memref<!tpu.dma_semaphore, #tpu.memory_space<semaphore_mem>>)
      %dma_wait3A = arith.constant 0 : i32
      %dma_wait3A_125 = arith.constant 0 : i32
      %dma_wait3A_126 = tpu.memref_slice %arg8[%dma_wait3A, %dma_wait3A_125] : memref<256x128xf32, #tpu.memory_space<vmem>> -> memref<128x128xf32, #tpu.memory_space<vmem>>
      %dma_wait3A_127 = arith.constant 0 : i32
      %dma_wait3A_128 = tpu.memref_slice %arg11[%add3A_30, %dma_wait3A_127] : memref<10240x128xf32, #tpu.memory_space<vmem_shared>> -> memref<128x128xf32, #tpu.memory_space<vmem_shared>>
      %dma_wait3A_129 = arith.constant 0 : i32
      %dma_wait3A_130 = tpu.memref_slice %arg11[%add3A_30, %dma_wait3A_129] : memref<10240x128xf32, #tpu.memory_space<vmem_shared>> -> memref<128x128xf32, #tpu.memory_space<vmem_shared>>
      %dma_wait3A_131 = arith.constant 0 : i32
      %dma_wait3A_132 = arith.constant 0 : i32
      %dma_wait3A_133 = tpu.memref_slice %arg8[%dma_wait3A_131, %dma_wait3A_132] : memref<256x128xf32, #tpu.memory_space<vmem>> -> memref<128x128xf32, #tpu.memory_space<vmem>>
      tpu.wait_dma2 semaphore(%run_scoped3A_114 : memref<!tpu.dma_semaphore, #tpu.memory_space<semaphore_mem>>) src(%dma_wait3A_133 : memref<128x128xf32, #tpu.memory_space<vmem>>) dst(%dma_wait3A_130 : memref<128x128xf32, #tpu.memory_space<vmem_shared>>)
      tpu.yield
    }) : () -> ()
    %add3A_31 = arith.constant 512 : i32
    %add3A_32 = arith.addi %mul3A_22, %add3A_31 : i32
    "tpu.region"() ({
      %run_scoped3A_114 = tpu.sem_alloc : memref<!tpu.dma_semaphore, #tpu.memory_space<semaphore_mem>>
      %dma_start3A_115 = arith.constant 0 : i32
      %dma_start3A_116 = arith.constant 0 : i32
      %dma_start3A_117 = tpu.memref_slice %arg8[%dma_start3A_115, %dma_start3A_116] : memref<256x128xf32, #tpu.memory_space<vmem>> -> memref<128x128xf32, #tpu.memory_space<vmem>>
      %dma_start3A_118 = arith.constant 0 : i32
      %dma_start3A_119 = tpu.memref_slice %arg11[%add3A_32, %dma_start3A_118] : memref<10240x128xf32, #tpu.memory_space<vmem_shared>> -> memref<128x128xf32, #tpu.memory_space<vmem_shared>>
      %dma_start3A_120 = arith.constant 0 : i32
      %dma_start3A_121 = tpu.memref_slice %arg11[%add3A_32, %dma_start3A_120] : memref<10240x128xf32, #tpu.memory_space<vmem_shared>> -> memref<128x128xf32, #tpu.memory_space<vmem_shared>>
      %dma_start3A_122 = arith.constant 0 : i32
      %dma_start3A_123 = arith.constant 0 : i32
      %dma_start3A_124 = tpu.memref_slice %arg8[%dma_start3A_122, %dma_start3A_123] : memref<256x128xf32, #tpu.memory_space<vmem>> -> memref<128x128xf32, #tpu.memory_space<vmem>>
      tpu.enqueue_dma source(%dma_start3A_124 : memref<128x128xf32, #tpu.memory_space<vmem>>) target(%dma_start3A_121 : memref<128x128xf32, #tpu.memory_space<vmem_shared>>) target_semaphore(%run_scoped3A_114 : memref<!tpu.dma_semaphore, #tpu.memory_space<semaphore_mem>>)
      %dma_wait3A = arith.constant 0 : i32
      %dma_wait3A_125 = arith.constant 0 : i32
      %dma_wait3A_126 = tpu.memref_slice %arg8[%dma_wait3A, %dma_wait3A_125] : memref<256x128xf32, #tpu.memory_space<vmem>> -> memref<128x128xf32, #tpu.memory_space<vmem>>
      %dma_wait3A_127 = arith.constant 0 : i32
      %dma_wait3A_128 = tpu.memref_slice %arg11[%add3A_32, %dma_wait3A_127] : memref<10240x128xf32, #tpu.memory_space<vmem_shared>> -> memref<128x128xf32, #tpu.memory_space<vmem_shared>>
      %dma_wait3A_129 = arith.constant 0 : i32
      %dma_wait3A_130 = tpu.memref_slice %arg11[%add3A_32, %dma_wait3A_129] : memref<10240x128xf32, #tpu.memory_space<vmem_shared>> -> memref<128x128xf32, #tpu.memory_space<vmem_shared>>
      %dma_wait3A_131 = arith.constant 0 : i32
      %dma_wait3A_132 = arith.constant 0 : i32
      %dma_wait3A_133 = tpu.memref_slice %arg8[%dma_wait3A_131, %dma_wait3A_132] : memref<256x128xf32, #tpu.memory_space<vmem>> -> memref<128x128xf32, #tpu.memory_space<vmem>>
      tpu.wait_dma2 semaphore(%run_scoped3A_114 : memref<!tpu.dma_semaphore, #tpu.memory_space<semaphore_mem>>) src(%dma_wait3A_133 : memref<128x128xf32, #tpu.memory_space<vmem>>) dst(%dma_wait3A_130 : memref<128x128xf32, #tpu.memory_space<vmem_shared>>)
      tpu.yield
    }) : () -> ()
    %scan3A_33 = arith.constant 0 : i32
    %scan3A_34 = arith.constant 0 : i32
    %scan3A_35 = arith.constant 40 : i32
    %scan3A_36 = arith.addi %scan3A_34, %scan3A_35 : i32
    %scan3A_37 = arith.constant 1 : i32
    %scan3A_38 = scf.for %scan3A_114 = %scan3A_34 to %scan3A_36 step %scan3A_37 iter_args(%scan3A_115 = %scan3A_33) -> (i32)  : i32 {
      %broadcast_in_dim3A_116 = arith.constant 0.000000e+00 : f32
      %broadcast_in_dim3A_117 = vector.broadcast %broadcast_in_dim3A_116 : f32 to vector<16xf32>
      %mul3A_118 = arith.constant 16 : i32
      %mul3A_119 = arith.muli %scan3A_114, %mul3A_118 : i32
      %swap3A_120 = arith.index_cast %mul3A_119 : i32 to index
      %swap3A_121 = tpu.vector_load %arg10[%swap3A_120] {strides = array<i32>} : memref<640xf32, #tpu.memory_space<vmem>>, vector<16xf32>,
      %swap3A_122 = vector.shape_cast %swap3A_121 : vector<16xf32> to vector<16xf32>
      %swap3A_123 = vector.shape_cast %broadcast_in_dim3A_117 : vector<16xf32> to vector<16xf32>
      tpu.vector_store %arg10[%swap3A_120], %swap3A_123 {strides = array<i32>} : memref<640xf32, #tpu.memory_space<vmem>>, vector<16xf32>,
      %scan3A_124 = arith.constant 0 : i32
      scf.yield %scan3A_124 : i32
    }
    %scan3A_39 = arith.constant 40 : i32
    "tpu.region"() ({
      %run_scoped3A_114 = tpu.sem_alloc : memref<!tpu.dma_semaphore, #tpu.memory_space<semaphore_mem>>
      %dma_start3A_115 = tpu.memref_slice %arg12[%mul3A_22] : memref<10240xf32, #tpu.memory_space<vmem_shared>> -> memref<640xf32, #tpu.memory_space<vmem_shared>>
      %dma_start3A_116 = tpu.memref_slice %arg12[%mul3A_22] : memref<10240xf32, #tpu.memory_space<vmem_shared>> -> memref<640xf32, #tpu.memory_space<vmem_shared>>
      tpu.enqueue_dma source(%arg10 : memref<640xf32, #tpu.memory_space<vmem>>) target(%dma_start3A_116 : memref<640xf32, #tpu.memory_space<vmem_shared>>) target_semaphore(%run_scoped3A_114 : memref<!tpu.dma_semaphore, #tpu.memory_space<semaphore_mem>>)
      %dma_wait3A = tpu.memref_slice %arg12[%mul3A_22] : memref<10240xf32, #tpu.memory_space<vmem_shared>> -> memref<640xf32, #tpu.memory_space<vmem_shared>>
      %dma_wait3A_117 = tpu.memref_slice %arg12[%mul3A_22] : memref<10240xf32, #tpu.memory_space<vmem_shared>> -> memref<640xf32, #tpu.memory_space<vmem_shared>>
      tpu.wait_dma2 semaphore(%run_scoped3A_114 : memref<!tpu.dma_semaphore, #tpu.memory_space<semaphore_mem>>) src(%arg10 : memref<640xf32, #tpu.memory_space<vmem>>) dst(%dma_wait3A_117 : memref<640xf32, #tpu.memory_space<vmem_shared>>)
      tpu.yield
    }) : () -> ()
    %broadcast_in_dim3A = arith.constant 1.000000e+00 : f32
    %broadcast_in_dim3A_40 = vector.broadcast %broadcast_in_dim3A : f32 to vector<16xf32>
    %swap3A = arith.constant 0 : index
    %swap3A_41 = tpu.vector_load %arg9[%swap3A] {strides = array<i32>} : memref<128xf32, #tpu.memory_space<vmem>>, vector<16xf32>,
    %swap3A_42 = vector.shape_cast %swap3A_41 : vector<16xf32> to vector<16xf32>
    %swap3A_43 = vector.shape_cast %broadcast_in_dim3A_40 : vector<16xf32> to vector<16xf32>
    tpu.vector_store %arg9[%swap3A], %swap3A_43 {strides = array<i32>} : memref<128xf32, #tpu.memory_space<vmem>>, vector<16xf32>,
    %broadcast_in_dim3A_44 = arith.constant 1.000000e+00 : f32
    %broadcast_in_dim3A_45 = vector.broadcast %broadcast_in_dim3A_44 : f32 to vector<16xf32>
    %swap3A_46 = arith.constant 16 : index
    %swap3A_47 = tpu.vector_load %arg9[%swap3A_46] {strides = array<i32>} : memref<128xf32, #tpu.memory_space<vmem>>, vector<16xf32>,
    %swap3A_48 = vector.shape_cast %swap3A_47 : vector<16xf32> to vector<16xf32>
    %swap3A_49 = vector.shape_cast %broadcast_in_dim3A_45 : vector<16xf32> to vector<16xf32>
    tpu.vector_store %arg9[%swap3A_46], %swap3A_49 {strides = array<i32>} : memref<128xf32, #tpu.memory_space<vmem>>, vector<16xf32>,
    %broadcast_in_dim3A_50 = arith.constant 1.000000e+00 : f32
    %broadcast_in_dim3A_51 = vector.broadcast %broadcast_in_dim3A_50 : f32 to vector<16xf32>
    %swap3A_52 = arith.constant 32 : index
    %swap3A_53 = tpu.vector_load %arg9[%swap3A_52] {strides = array<i32>} : memref<128xf32, #tpu.memory_space<vmem>>, vector<16xf32>,
    %swap3A_54 = vector.shape_cast %swap3A_53 : vector<16xf32> to vector<16xf32>
    %swap3A_55 = vector.shape_cast %broadcast_in_dim3A_51 : vector<16xf32> to vector<16xf32>
    tpu.vector_store %arg9[%swap3A_52], %swap3A_55 {strides = array<i32>} : memref<128xf32, #tpu.memory_space<vmem>>, vector<16xf32>,
    %broadcast_in_dim3A_56 = arith.constant 1.000000e+00 : f32
    %broadcast_in_dim3A_57 = vector.broadcast %broadcast_in_dim3A_56 : f32 to vector<16xf32>
    %swap3A_58 = arith.constant 48 : index
    %swap3A_59 = tpu.vector_load %arg9[%swap3A_58] {strides = array<i32>} : memref<128xf32, #tpu.memory_space<vmem>>, vector<16xf32>,
    %swap3A_60 = vector.shape_cast %swap3A_59 : vector<16xf32> to vector<16xf32>
    %swap3A_61 = vector.shape_cast %broadcast_in_dim3A_57 : vector<16xf32> to vector<16xf32>
    tpu.vector_store %arg9[%swap3A_58], %swap3A_61 {strides = array<i32>} : memref<128xf32, #tpu.memory_space<vmem>>, vector<16xf32>,
    %broadcast_in_dim3A_62 = arith.constant 1.000000e+00 : f32
    %broadcast_in_dim3A_63 = vector.broadcast %broadcast_in_dim3A_62 : f32 to vector<16xf32>
    %swap3A_64 = arith.constant 64 : index
    %swap3A_65 = tpu.vector_load %arg9[%swap3A_64] {strides = array<i32>} : memref<128xf32, #tpu.memory_space<vmem>>, vector<16xf32>,
    %swap3A_66 = vector.shape_cast %swap3A_65 : vector<16xf32> to vector<16xf32>
    %swap3A_67 = vector.shape_cast %broadcast_in_dim3A_63 : vector<16xf32> to vector<16xf32>
    tpu.vector_store %arg9[%swap3A_64], %swap3A_67 {strides = array<i32>} : memref<128xf32, #tpu.memory_space<vmem>>, vector<16xf32>,
    %broadcast_in_dim3A_68 = arith.constant 1.000000e+00 : f32
    %broadcast_in_dim3A_69 = vector.broadcast %broadcast_in_dim3A_68 : f32 to vector<16xf32>
    %swap3A_70 = arith.constant 80 : index
    %swap3A_71 = tpu.vector_load %arg9[%swap3A_70] {strides = array<i32>} : memref<128xf32, #tpu.memory_space<vmem>>, vector<16xf32>,
    %swap3A_72 = vector.shape_cast %swap3A_71 : vector<16xf32> to vector<16xf32>
    %swap3A_73 = vector.shape_cast %broadcast_in_dim3A_69 : vector<16xf32> to vector<16xf32>
    tpu.vector_store %arg9[%swap3A_70], %swap3A_73 {strides = array<i32>} : memref<128xf32, #tpu.memory_space<vmem>>, vector<16xf32>,
    %broadcast_in_dim3A_74 = arith.constant 1.000000e+00 : f32
    %broadcast_in_dim3A_75 = vector.broadcast %broadcast_in_dim3A_74 : f32 to vector<16xf32>
    %swap3A_76 = arith.constant 96 : index
    %swap3A_77 = tpu.vector_load %arg9[%swap3A_76] {strides = array<i32>} : memref<128xf32, #tpu.memory_space<vmem>>, vector<16xf32>,
    %swap3A_78 = vector.shape_cast %swap3A_77 : vector<16xf32> to vector<16xf32>
    %swap3A_79 = vector.shape_cast %broadcast_in_dim3A_75 : vector<16xf32> to vector<16xf32>
    tpu.vector_store %arg9[%swap3A_76], %swap3A_79 {strides = array<i32>} : memref<128xf32, #tpu.memory_space<vmem>>, vector<16xf32>,
    %broadcast_in_dim3A_80 = arith.constant 1.000000e+00 : f32
    %broadcast_in_dim3A_81 = vector.broadcast %broadcast_in_dim3A_80 : f32 to vector<16xf32>
    %swap3A_82 = arith.constant 112 : index
    %swap3A_83 = tpu.vector_load %arg9[%swap3A_82] {strides = array<i32>} : memref<128xf32, #tpu.memory_space<vmem>>, vector<16xf32>,
    %swap3A_84 = vector.shape_cast %swap3A_83 : vector<16xf32> to vector<16xf32>
    %swap3A_85 = vector.shape_cast %broadcast_in_dim3A_81 : vector<16xf32> to vector<16xf32>
    tpu.vector_store %arg9[%swap3A_82], %swap3A_85 {strides = array<i32>} : memref<128xf32, #tpu.memory_space<vmem>>, vector<16xf32>,
    %dma_start3A_86 = arith.constant 0 : i32
    %dma_start3A_87 = arith.constant 0 : i32
    %dma_start3A_88 = arith.constant 0 : i32
    %dma_start3A_89 = tpu.memref_slice %arg8[%dma_start3A_87, %dma_start3A_88] : memref<256x128xf32, #tpu.memory_space<vmem>> -> memref<125x128xf32, #tpu.memory_space<vmem>>
    %dma_start3A_90 = arith.constant 0 : i32
    %dma_start3A_91 = tpu.memref_slice %arg6[%dma_start3A_86, %dma_start3A_90] : memref<80x125xi32, #tpu.memory_space<vmem>> -> memref<1x125xi32, #tpu.memory_space<vmem>>
    %dma_start3A_92 = tpu.memref_squeeze %dma_start3A_91 : memref<1x125xi32, #tpu.memory_space<vmem>> -> memref<125xi32, #tpu.memory_space<vmem>>
    %dma_start3A_93 = arith.constant 0 : i32
    %dma_start3A_94 = arith.constant 0 : i32
    %dma_start3A_95 = tpu.memref_slice %arg2[%dma_start3A_93, %dma_start3A_94] : memref<10000x128xf32, #tpu.memory_space<hbm>> -> memref<10000x128xf32, #tpu.memory_space<hbm>>
    tpu.enqueue_indirect_dma source(%dma_start3A_95 : memref<10000x128xf32, #tpu.memory_space<hbm>>) target(%dma_start3A_89 : memref<125x128xf32, #tpu.memory_space<vmem>>) offsets(%dma_start3A_92 : memref<125xi32, #tpu.memory_space<vmem>>) semaphore(%arg14 : memref<!tpu.dma_semaphore, #tpu.memory_space<semaphore_mem>>)
    %dma_start3A_96 = arith.constant 1 : i32
    %dma_start3A_97 = arith.constant 128 : i32
    %dma_start3A_98 = arith.constant 0 : i32
    %dma_start3A_99 = tpu.memref_slice %arg8[%dma_start3A_97, %dma_start3A_98] : memref<256x128xf32, #tpu.memory_space<vmem>> -> memref<125x128xf32, #tpu.memory_space<vmem>>
    %dma_start3A_100 = arith.constant 0 : i32
    %dma_start3A_101 = tpu.memref_slice %arg6[%dma_start3A_96, %dma_start3A_100] : memref<80x125xi32, #tpu.memory_space<vmem>> -> memref<1x125xi32, #tpu.memory_space<vmem>>
    %dma_start3A_102 = tpu.memref_squeeze %dma_start3A_101 : memref<1x125xi32, #tpu.memory_space<vmem>> -> memref<125xi32, #tpu.memory_space<vmem>>
    %dma_start3A_103 = arith.constant 0 : i32
    %dma_start3A_104 = arith.constant 0 : i32
    %dma_start3A_105 = tpu.memref_slice %arg2[%dma_start3A_103, %dma_start3A_104] : memref<10000x128xf32, #tpu.memory_space<hbm>> -> memref<10000x128xf32, #tpu.memory_space<hbm>>
    tpu.enqueue_indirect_dma source(%dma_start3A_105 : memref<10000x128xf32, #tpu.memory_space<hbm>>) target(%dma_start3A_99 : memref<125x128xf32, #tpu.memory_space<vmem>>) offsets(%dma_start3A_102 : memref<125xi32, #tpu.memory_space<vmem>>) semaphore(%arg15 : memref<!tpu.dma_semaphore, #tpu.memory_space<semaphore_mem>>)
    %barrier3A = arith.constant 0 : index
    tpu.barrier barrier_id(%barrier3A)
    %scan3A_106 = arith.constant 0 : i32
    %scan3A_107 = arith.constant 0 : i32
    %scan3A_108 = arith.constant 40 : i32
    %scan3A_109 = arith.addi %scan3A_107, %scan3A_108 : i32
    %scan3A_110 = arith.constant 1 : i32
    %scan3A_111 = scf.for %scan3A_114 = %scan3A_107 to %scan3A_109 step %scan3A_110 iter_args(%scan3A_115 = %scan3A_106) -> (i32)  : i32 {
      %mul3A_116 = arith.constant 2 : i32
      %mul3A_117 = arith.muli %mul3A_116, %scan3A_114 : i32
      %jit3A = arith.constant 4 : i32
      %div3A = arith.divsi %scan3A_114, %jit3A : i32
      %sign3A = arith.constant 0 : i32
      %sign3A_118 = arith.cmpi sgt, %scan3A_114, %sign3A : i32
      %sign3A_119 = arith.extui %sign3A_118 : i1 to i32
      %sign3A_120 = arith.constant 0 : i32
      %sign3A_121 = arith.cmpi slt, %scan3A_114, %sign3A_120 : i32
      %sign3A_122 = arith.extui %sign3A_121 : i1 to i32
      %sign3A_123 = arith.subi %sign3A_119, %sign3A_122 : i32
      %sign3A_124 = arith.constant 0 : i32
      %sign3A_125 = arith.cmpi sgt, %jit3A, %sign3A_124 : i32
      %sign3A_126 = arith.extui %sign3A_125 : i1 to i32
      %sign3A_127 = arith.constant 0 : i32
      %sign3A_128 = arith.cmpi slt, %jit3A, %sign3A_127 : i32
      %sign3A_129 = arith.extui %sign3A_128 : i1 to i32
      %sign3A_130 = arith.subi %sign3A_126, %sign3A_129 : i32
      %ne3A = arith.cmpi ne, %sign3A_123, %sign3A_130 : i32
      %rem3A = arith.remsi %scan3A_114, %jit3A : i32
      %ne3A_131 = arith.constant 0 : i32
      %ne3A_132 = arith.cmpi ne, %rem3A, %ne3A_131 : i32
      %and3A = arith.andi %ne3A, %ne3A_132 : i1
      %sub3A = arith.constant 1 : i32
      %sub3A_133 = arith.subi %div3A, %sub3A : i32
      %select_n3A = arith.select %and3A, %sub3A_133, %div3A : i32
      %rem3A_134 = arith.constant 2 : i32
      %rem3A_135 = arith.remsi %select_n3A, %rem3A_134 : i32
      %rem3A_136 = arith.constant 8 : i32
      %rem3A_137 = arith.remsi %mul3A_117, %rem3A_136 : i32
      %eq3A = arith.constant 0 : i32
      %eq3A_138 = arith.cmpi eq, %rem3A_137, %eq3A : i32
      %convert_element_type3A = arith.extui %eq3A_138 : i1 to i32
      %cond3A = arith.constant 0 : i32
      %cond3A_139 = arith.cmpi ne, %convert_element_type3A, %cond3A : i32
      scf.if %cond3A_139 {
        %mul3A_191 = arith.constant 8 : i32
        %mul3A_192 = arith.muli %select_n3A, %mul3A_191 : i32
        %mul3A_193 = arith.constant 8 : i32
        %mul3A_194 = arith.muli %rem3A_135, %mul3A_193 : i32
        %dma_wait3A_195 = arith.constant 1 : i32
        %dma_wait3A_196 = arith.constant 0 : i32
        %dma_wait3A_197 = tpu.memref_slice %arg7[%mul3A_194, %dma_wait3A_196] : memref<16x125xi32, #tpu.memory_space<vmem>> -> memref<8x125xi32, #tpu.memory_space<vmem>>
        %dma_wait3A_198 = arith.constant 0 : i32
        %dma_wait3A_199 = tpu.memref_slice %arg3[%dma_wait3A_195, %add3A, %mul3A_192, %dma_wait3A_198] : memref<2x32x80x125xi32, #tpu.memory_space<hbm>> -> memref<1x1x8x125xi32, #tpu.memory_space<hbm>>
        %dma_wait3A_200 = tpu.memref_squeeze %dma_wait3A_199 : memref<1x1x8x125xi32, #tpu.memory_space<hbm>> -> memref<8x125xi32, #tpu.memory_space<hbm>>
        %dma_wait3A_201 = arith.constant 0 : i32
        %dma_wait3A_202 = tpu.memref_slice %arg7[%mul3A_194, %dma_wait3A_201] : memref<16x125xi32, #tpu.memory_space<vmem>> -> memref<8x125xi32, #tpu.memory_space<vmem>>
        %dma_wait3A_203 = arith.constant 0 : i32
        %dma_wait3A_204 = tpu.memref_slice %arg3[%dma_wait3A_195, %add3A, %mul3A_192, %dma_wait3A_203] : memref<2x32x80x125xi32, #tpu.memory_space<hbm>> -> memref<1x1x8x125xi32, #tpu.memory_space<hbm>>
        %dma_wait3A_205 = tpu.memref_squeeze %dma_wait3A_204 : memref<1x1x8x125xi32, #tpu.memory_space<hbm>> -> memref<8x125xi32, #tpu.memory_space<hbm>>
        tpu.wait_dma2 semaphore(%arg13 : memref<!tpu.dma_semaphore, #tpu.memory_space<semaphore_mem>>) src(%dma_wait3A_205 : memref<8x125xi32, #tpu.memory_space<hbm>>) dst(%dma_wait3A_202 : memref<8x125xi32, #tpu.memory_space<vmem>>)
      } else {
      }
      %dma_wait3A = arith.constant 0 : i32
      %dma_wait3A_140 = arith.constant 0 : i32
      %dma_wait3A_141 = tpu.memref_slice %arg8[%dma_wait3A, %dma_wait3A_140] : memref<256x128xf32, #tpu.memory_space<vmem>> -> memref<125x128xf32, #tpu.memory_space<vmem>>
      %dma_wait3A_142 = arith.constant 0 : i32
      %dma_wait3A_143 = tpu.memref_slice %arg6[%mul3A_117, %dma_wait3A_142] : memref<80x125xi32, #tpu.memory_space<vmem>> -> memref<1x125xi32, #tpu.memory_space<vmem>>
      %dma_wait3A_144 = tpu.memref_squeeze %dma_wait3A_143 : memref<1x125xi32, #tpu.memory_space<vmem>> -> memref<125xi32, #tpu.memory_space<vmem>>
      %dma_wait3A_145 = arith.constant 0 : i32
      %dma_wait3A_146 = arith.constant 0 : i32
      %dma_wait3A_147 = tpu.memref_slice %arg2[%dma_wait3A_145, %dma_wait3A_146] : memref<10000x128xf32, #tpu.memory_space<hbm>> -> memref<10000x128xf32, #tpu.memory_space<hbm>>
      tpu.wait_indirect_dma semaphore(%arg14 : memref<!tpu.dma_semaphore, #tpu.memory_space<semaphore_mem>>) src(%dma_wait3A_147 : memref<10000x128xf32, #tpu.memory_space<hbm>>) dst(%dma_wait3A_141 : memref<125x128xf32, #tpu.memory_space<vmem>>)
      %mul3A_148 = arith.constant 8 : i32
      %mul3A_149 = arith.muli %rem3A_135, %mul3A_148 : i32
      %add3A_150 = arith.addi %mul3A_149, %rem3A_137 : i32
      "tpu.region"() ({
        %run_scoped3A_191 = tpu.sem_alloc : memref<!tpu.dma_semaphore, #tpu.memory_space<semaphore_mem>>
        %dma_start3A_192 = arith.constant 0 : i32
        %dma_start3A_193 = arith.constant 0 : i32
        %dma_start3A_194 = tpu.memref_slice %arg8[%dma_start3A_192, %dma_start3A_193] : memref<256x128xf32, #tpu.memory_space<vmem>> -> memref<125x128xf32, #tpu.memory_space<vmem>>
        %dma_start3A_195 = arith.constant 0 : i32
        %dma_start3A_196 = tpu.memref_slice %arg7[%add3A_150, %dma_start3A_195] : memref<16x125xi32, #tpu.memory_space<vmem>> -> memref<1x125xi32, #tpu.memory_space<vmem>>
        %dma_start3A_197 = tpu.memref_squeeze %dma_start3A_196 : memref<1x125xi32, #tpu.memory_space<vmem>> -> memref<125xi32, #tpu.memory_space<vmem>>
        %dma_start3A_198 = arith.constant 0 : i32
        %dma_start3A_199 = arith.constant 0 : i32
        %dma_start3A_200 = tpu.memref_slice %arg11[%dma_start3A_198, %dma_start3A_199] : memref<10240x128xf32, #tpu.memory_space<vmem_shared>> -> memref<10240x128xf32, #tpu.memory_space<vmem_shared>>
        tpu.enqueue_indirect_dma source(%dma_start3A_194 : memref<125x128xf32, #tpu.memory_space<vmem>>) target(%dma_start3A_200 : memref<10240x128xf32, #tpu.memory_space<vmem_shared>>) offsets(%dma_start3A_197 : memref<125xi32, #tpu.memory_space<vmem>>) semaphore(%run_scoped3A_191 : memref<!tpu.dma_semaphore, #tpu.memory_space<semaphore_mem>>) {add = true}
        %dma_wait3A_201 = arith.constant 0 : i32
        %dma_wait3A_202 = arith.constant 0 : i32
        %dma_wait3A_203 = tpu.memref_slice %arg8[%dma_wait3A_201, %dma_wait3A_202] : memref<256x128xf32, #tpu.memory_space<vmem>> -> memref<125x128xf32, #tpu.memory_space<vmem>>
        %dma_wait3A_204 = arith.constant 0 : i32
        %dma_wait3A_205 = tpu.memref_slice %arg7[%add3A_150, %dma_wait3A_204] : memref<16x125xi32, #tpu.memory_space<vmem>> -> memref<1x125xi32, #tpu.memory_space<vmem>>
        %dma_wait3A_206 = tpu.memref_squeeze %dma_wait3A_205 : memref<1x125xi32, #tpu.memory_space<vmem>> -> memref<125xi32, #tpu.memory_space<vmem>>
        %dma_wait3A_207 = arith.constant 0 : i32
        %dma_wait3A_208 = arith.constant 0 : i32
        %dma_wait3A_209 = tpu.memref_slice %arg11[%dma_wait3A_207, %dma_wait3A_208] : memref<10240x128xf32, #tpu.memory_space<vmem_shared>> -> memref<10240x128xf32, #tpu.memory_space<vmem_shared>>
        tpu.wait_indirect_dma semaphore(%run_scoped3A_191 : memref<!tpu.dma_semaphore, #tpu.memory_space<semaphore_mem>>) src(%dma_wait3A_203 : memref<125x128xf32, #tpu.memory_space<vmem>>) dst(%dma_wait3A_209 : memref<10240x128xf32, #tpu.memory_space<vmem_shared>>)
        tpu.yield
      }) : () -> ()
      "tpu.region"() ({
        %run_scoped3A_191 = tpu.sem_alloc : memref<!tpu.dma_semaphore, #tpu.memory_space<semaphore_mem>>
        %dma_start3A_192 = arith.constant 0 : i32
        %dma_start3A_193 = tpu.memref_slice %arg9[%dma_start3A_192] : memref<128xf32, #tpu.memory_space<vmem>> -> memref<125xf32, #tpu.memory_space<vmem>>
        %dma_start3A_194 = arith.constant 0 : i32
        %dma_start3A_195 = tpu.memref_slice %arg7[%add3A_150, %dma_start3A_194] : memref<16x125xi32, #tpu.memory_space<vmem>> -> memref<1x125xi32, #tpu.memory_space<vmem>>
        %dma_start3A_196 = tpu.memref_squeeze %dma_start3A_195 : memref<1x125xi32, #tpu.memory_space<vmem>> -> memref<125xi32, #tpu.memory_space<vmem>>
        %dma_start3A_197 = arith.constant 0 : i32
        %dma_start3A_198 = tpu.memref_slice %arg12[%dma_start3A_197] : memref<10240xf32, #tpu.memory_space<vmem_shared>> -> memref<10240xf32, #tpu.memory_space<vmem_shared>>
        tpu.enqueue_indirect_dma source(%dma_start3A_193 : memref<125xf32, #tpu.memory_space<vmem>>) target(%dma_start3A_198 : memref<10240xf32, #tpu.memory_space<vmem_shared>>) offsets(%dma_start3A_196 : memref<125xi32, #tpu.memory_space<vmem>>) semaphore(%run_scoped3A_191 : memref<!tpu.dma_semaphore, #tpu.memory_space<semaphore_mem>>) {add = true}
        %dma_wait3A_199 = arith.constant 0 : i32
        %dma_wait3A_200 = tpu.memref_slice %arg9[%dma_wait3A_199] : memref<128xf32, #tpu.memory_space<vmem>> -> memref<125xf32, #tpu.memory_space<vmem>>
        %dma_wait3A_201 = arith.constant 0 : i32
        %dma_wait3A_202 = tpu.memref_slice %arg7[%add3A_150, %dma_wait3A_201] : memref<16x125xi32, #tpu.memory_space<vmem>> -> memref<1x125xi32, #tpu.memory_space<vmem>>
        %dma_wait3A_203 = tpu.memref_squeeze %dma_wait3A_202 : memref<1x125xi32, #tpu.memory_space<vmem>> -> memref<125xi32, #tpu.memory_space<vmem>>
        %dma_wait3A_204 = arith.constant 0 : i32
        %dma_wait3A_205 = tpu.memref_slice %arg12[%dma_wait3A_204] : memref<10240xf32, #tpu.memory_space<vmem_shared>> -> memref<10240xf32, #tpu.memory_space<vmem_shared>>
        tpu.wait_indirect_dma semaphore(%run_scoped3A_191 : memref<!tpu.dma_semaphore, #tpu.memory_space<semaphore_mem>>) src(%dma_wait3A_200 : memref<125xf32, #tpu.memory_space<vmem>>) dst(%dma_wait3A_205 : memref<10240xf32, #tpu.memory_space<vmem_shared>>)
        tpu.yield
      }) : () -> ()
      %add3A_151 = arith.constant 2 : i32
      %add3A_152 = arith.addi %mul3A_117, %add3A_151 : i32
      %lt3A = arith.constant 80 : i32
      %lt3A_153 = arith.cmpi slt, %add3A_152, %lt3A : i32
      %convert_element_type3A_154 = arith.extui %lt3A_153 : i1 to i32
      %cond3A_155 = arith.constant 0 : i32
      %cond3A_156 = arith.cmpi ne, %convert_element_type3A_154, %cond3A_155 : i32
      scf.if %cond3A_156 {
        %add3A_191 = arith.constant 2 : i32
        %add3A_192 = arith.addi %mul3A_117, %add3A_191 : i32
        %dma_start3A_193 = arith.constant 0 : i32
        %dma_start3A_194 = arith.constant 0 : i32
        %dma_start3A_195 = tpu.memref_slice %arg8[%dma_start3A_193, %dma_start3A_194] : memref<256x128xf32, #tpu.memory_space<vmem>> -> memref<125x128xf32, #tpu.memory_space<vmem>>
        %dma_start3A_196 = arith.constant 0 : i32
        %dma_start3A_197 = tpu.memref_slice %arg6[%add3A_192, %dma_start3A_196] : memref<80x125xi32, #tpu.memory_space<vmem>> -> memref<1x125xi32, #tpu.memory_space<vmem>>
        %dma_start3A_198 = tpu.memref_squeeze %dma_start3A_197 : memref<1x125xi32, #tpu.memory_space<vmem>> -> memref<125xi32, #tpu.memory_space<vmem>>
        %dma_start3A_199 = arith.constant 0 : i32
        %dma_start3A_200 = arith.constant 0 : i32
        %dma_start3A_201 = tpu.memref_slice %arg2[%dma_start3A_199, %dma_start3A_200] : memref<10000x128xf32, #tpu.memory_space<hbm>> -> memref<10000x128xf32, #tpu.memory_space<hbm>>
        tpu.enqueue_indirect_dma source(%dma_start3A_201 : memref<10000x128xf32, #tpu.memory_space<hbm>>) target(%dma_start3A_195 : memref<125x128xf32, #tpu.memory_space<vmem>>) offsets(%dma_start3A_198 : memref<125xi32, #tpu.memory_space<vmem>>) semaphore(%arg14 : memref<!tpu.dma_semaphore, #tpu.memory_space<semaphore_mem>>)
      } else {
      }
      %add3A_157 = arith.constant 1 : i32
      %add3A_158 = arith.addi %mul3A_117, %add3A_157 : i32
      %add3A_159 = arith.constant 1 : i32
      %add3A_160 = arith.addi %rem3A_137, %add3A_159 : i32
      %dma_wait3A_161 = arith.constant 128 : i32
      %dma_wait3A_162 = arith.constant 0 : i32
      %dma_wait3A_163 = tpu.memref_slice %arg8[%dma_wait3A_161, %dma_wait3A_162] : memref<256x128xf32, #tpu.memory_space<vmem>> -> memref<125x128xf32, #tpu.memory_space<vmem>>
      %dma_wait3A_164 = arith.constant 0 : i32
      %dma_wait3A_165 = tpu.memref_slice %arg6[%add3A_158, %dma_wait3A_164] : memref<80x125xi32, #tpu.memory_space<vmem>> -> memref<1x125xi32, #tpu.memory_space<vmem>>
      %dma_wait3A_166 = tpu.memref_squeeze %dma_wait3A_165 : memref<1x125xi32, #tpu.memory_space<vmem>> -> memref<125xi32, #tpu.memory_space<vmem>>
      %dma_wait3A_167 = arith.constant 0 : i32
      %dma_wait3A_168 = arith.constant 0 : i32
      %dma_wait3A_169 = tpu.memref_slice %arg2[%dma_wait3A_167, %dma_wait3A_168] : memref<10000x128xf32, #tpu.memory_space<hbm>> -> memref<10000x128xf32, #tpu.memory_space<hbm>>
      tpu.wait_indirect_dma semaphore(%arg15 : memref<!tpu.dma_semaphore, #tpu.memory_space<semaphore_mem>>) src(%dma_wait3A_169 : memref<10000x128xf32, #tpu.memory_space<hbm>>) dst(%dma_wait3A_163 : memref<125x128xf32, #tpu.memory_space<vmem>>)
      %mul3A_170 = arith.constant 8 : i32
      %mul3A_171 = arith.muli %rem3A_135, %mul3A_170 : i32
      %add3A_172 = arith.addi %mul3A_171, %add3A_160 : i32
      "tpu.region"() ({
        %run_scoped3A_191 = tpu.sem_alloc : memref<!tpu.dma_semaphore, #tpu.memory_space<semaphore_mem>>
        %dma_start3A_192 = arith.constant 128 : i32
        %dma_start3A_193 = arith.constant 0 : i32
        %dma_start3A_194 = tpu.memref_slice %arg8[%dma_start3A_192, %dma_start3A_193] : memref<256x128xf32, #tpu.memory_space<vmem>> -> memref<125x128xf32, #tpu.memory_space<vmem>>
        %dma_start3A_195 = arith.constant 0 : i32
        %dma_start3A_196 = tpu.memref_slice %arg7[%add3A_172, %dma_start3A_195] : memref<16x125xi32, #tpu.memory_space<vmem>> -> memref<1x125xi32, #tpu.memory_space<vmem>>
        %dma_start3A_197 = tpu.memref_squeeze %dma_start3A_196 : memref<1x125xi32, #tpu.memory_space<vmem>> -> memref<125xi32, #tpu.memory_space<vmem>>
        %dma_start3A_198 = arith.constant 0 : i32
        %dma_start3A_199 = arith.constant 0 : i32
        %dma_start3A_200 = tpu.memref_slice %arg11[%dma_start3A_198, %dma_start3A_199] : memref<10240x128xf32, #tpu.memory_space<vmem_shared>> -> memref<10240x128xf32, #tpu.memory_space<vmem_shared>>
        tpu.enqueue_indirect_dma source(%dma_start3A_194 : memref<125x128xf32, #tpu.memory_space<vmem>>) target(%dma_start3A_200 : memref<10240x128xf32, #tpu.memory_space<vmem_shared>>) offsets(%dma_start3A_197 : memref<125xi32, #tpu.memory_space<vmem>>) semaphore(%run_scoped3A_191 : memref<!tpu.dma_semaphore, #tpu.memory_space<semaphore_mem>>) {add = true}
        %dma_wait3A_201 = arith.constant 128 : i32
        %dma_wait3A_202 = arith.constant 0 : i32
        %dma_wait3A_203 = tpu.memref_slice %arg8[%dma_wait3A_201, %dma_wait3A_202] : memref<256x128xf32, #tpu.memory_space<vmem>> -> memref<125x128xf32, #tpu.memory_space<vmem>>
        %dma_wait3A_204 = arith.constant 0 : i32
        %dma_wait3A_205 = tpu.memref_slice %arg7[%add3A_172, %dma_wait3A_204] : memref<16x125xi32, #tpu.memory_space<vmem>> -> memref<1x125xi32, #tpu.memory_space<vmem>>
        %dma_wait3A_206 = tpu.memref_squeeze %dma_wait3A_205 : memref<1x125xi32, #tpu.memory_space<vmem>> -> memref<125xi32, #tpu.memory_space<vmem>>
        %dma_wait3A_207 = arith.constant 0 : i32
        %dma_wait3A_208 = arith.constant 0 : i32
        %dma_wait3A_209 = tpu.memref_slice %arg11[%dma_wait3A_207, %dma_wait3A_208] : memref<10240x128xf32, #tpu.memory_space<vmem_shared>> -> memref<10240x128xf32, #tpu.memory_space<vmem_shared>>
        tpu.wait_indirect_dma semaphore(%run_scoped3A_191 : memref<!tpu.dma_semaphore, #tpu.memory_space<semaphore_mem>>) src(%dma_wait3A_203 : memref<125x128xf32, #tpu.memory_space<vmem>>) dst(%dma_wait3A_209 : memref<10240x128xf32, #tpu.memory_space<vmem_shared>>)
        tpu.yield
      }) : () -> ()
      "tpu.region"() ({
        %run_scoped3A_191 = tpu.sem_alloc : memref<!tpu.dma_semaphore, #tpu.memory_space<semaphore_mem>>
        %dma_start3A_192 = arith.constant 0 : i32
        %dma_start3A_193 = tpu.memref_slice %arg9[%dma_start3A_192] : memref<128xf32, #tpu.memory_space<vmem>> -> memref<125xf32, #tpu.memory_space<vmem>>
        %dma_start3A_194 = arith.constant 0 : i32
        %dma_start3A_195 = tpu.memref_slice %arg7[%add3A_172, %dma_start3A_194] : memref<16x125xi32, #tpu.memory_space<vmem>> -> memref<1x125xi32, #tpu.memory_space<vmem>>
        %dma_start3A_196 = tpu.memref_squeeze %dma_start3A_195 : memref<1x125xi32, #tpu.memory_space<vmem>> -> memref<125xi32, #tpu.memory_space<vmem>>
        %dma_start3A_197 = arith.constant 0 : i32
        %dma_start3A_198 = tpu.memref_slice %arg12[%dma_start3A_197] : memref<10240xf32, #tpu.memory_space<vmem_shared>> -> memref<10240xf32, #tpu.memory_space<vmem_shared>>
        tpu.enqueue_indirect_dma source(%dma_start3A_193 : memref<125xf32, #tpu.memory_space<vmem>>) target(%dma_start3A_198 : memref<10240xf32, #tpu.memory_space<vmem_shared>>) offsets(%dma_start3A_196 : memref<125xi32, #tpu.memory_space<vmem>>) semaphore(%run_scoped3A_191 : memref<!tpu.dma_semaphore, #tpu.memory_space<semaphore_mem>>) {add = true}
        %dma_wait3A_199 = arith.constant 0 : i32
        %dma_wait3A_200 = tpu.memref_slice %arg9[%dma_wait3A_199] : memref<128xf32, #tpu.memory_space<vmem>> -> memref<125xf32, #tpu.memory_space<vmem>>
        %dma_wait3A_201 = arith.constant 0 : i32
        %dma_wait3A_202 = tpu.memref_slice %arg7[%add3A_172, %dma_wait3A_201] : memref<16x125xi32, #tpu.memory_space<vmem>> -> memref<1x125xi32, #tpu.memory_space<vmem>>
        %dma_wait3A_203 = tpu.memref_squeeze %dma_wait3A_202 : memref<1x125xi32, #tpu.memory_space<vmem>> -> memref<125xi32, #tpu.memory_space<vmem>>
        %dma_wait3A_204 = arith.constant 0 : i32
        %dma_wait3A_205 = tpu.memref_slice %arg12[%dma_wait3A_204] : memref<10240xf32, #tpu.memory_space<vmem_shared>> -> memref<10240xf32, #tpu.memory_space<vmem_shared>>
        tpu.wait_indirect_dma semaphore(%run_scoped3A_191 : memref<!tpu.dma_semaphore, #tpu.memory_space<semaphore_mem>>) src(%dma_wait3A_200 : memref<125xf32, #tpu.memory_space<vmem>>) dst(%dma_wait3A_205 : memref<10240xf32, #tpu.memory_space<vmem_shared>>)
        tpu.yield
      }) : () -> ()
      %add3A_173 = arith.constant 2 : i32
      %add3A_174 = arith.addi %add3A_158, %add3A_173 : i32
      %lt3A_175 = arith.constant 80 : i32
      %lt3A_176 = arith.cmpi slt, %add3A_174, %lt3A_175 : i32
      %convert_element_type3A_177 = arith.extui %lt3A_176 : i1 to i32
      %cond3A_178 = arith.constant 0 : i32
      %cond3A_179 = arith.cmpi ne, %convert_element_type3A_177, %cond3A_178 : i32
      scf.if %cond3A_179 {
        %add3A_191 = arith.constant 2 : i32
        %add3A_192 = arith.addi %add3A_158, %add3A_191 : i32
        %dma_start3A_193 = arith.constant 128 : i32
        %dma_start3A_194 = arith.constant 0 : i32
        %dma_start3A_195 = tpu.memref_slice %arg8[%dma_start3A_193, %dma_start3A_194] : memref<256x128xf32, #tpu.memory_space<vmem>> -> memref<125x128xf32, #tpu.memory_space<vmem>>
        %dma_start3A_196 = arith.constant 0 : i32
        %dma_start3A_197 = tpu.memref_slice %arg6[%add3A_192, %dma_start3A_196] : memref<80x125xi32, #tpu.memory_space<vmem>> -> memref<1x125xi32, #tpu.memory_space<vmem>>
        %dma_start3A_198 = tpu.memref_squeeze %dma_start3A_197 : memref<1x125xi32, #tpu.memory_space<vmem>> -> memref<125xi32, #tpu.memory_space<vmem>>
        %dma_start3A_199 = arith.constant 0 : i32
        %dma_start3A_200 = arith.constant 0 : i32
        %dma_start3A_201 = tpu.memref_slice %arg2[%dma_start3A_199, %dma_start3A_200] : memref<10000x128xf32, #tpu.memory_space<hbm>> -> memref<10000x128xf32, #tpu.memory_space<hbm>>
        tpu.enqueue_indirect_dma source(%dma_start3A_201 : memref<10000x128xf32, #tpu.memory_space<hbm>>) target(%dma_start3A_195 : memref<125x128xf32, #tpu.memory_space<vmem>>) offsets(%dma_start3A_198 : memref<125xi32, #tpu.memory_space<vmem>>) semaphore(%arg15 : memref<!tpu.dma_semaphore, #tpu.memory_space<semaphore_mem>>)
      } else {
      }
      %eq3A_180 = arith.constant 4 : i32
      %eq3A_181 = arith.cmpi eq, %rem3A_137, %eq3A_180 : i32
      %add3A_182 = arith.constant 1 : i32
      %add3A_183 = arith.addi %select_n3A, %add3A_182 : i32
      %lt3A_184 = arith.constant 10 : i32
      %lt3A_185 = arith.cmpi slt, %add3A_183, %lt3A_184 : i32
      %and3A_186 = arith.andi %eq3A_181, %lt3A_185 : i1
      %convert_element_type3A_187 = arith.extui %and3A_186 : i1 to i32
      %cond3A_188 = arith.constant 0 : i32
      %cond3A_189 = arith.cmpi ne, %convert_element_type3A_187, %cond3A_188 : i32
      scf.if %cond3A_189 {
        %add3A_191 = arith.constant 1 : i32
        %add3A_192 = arith.addi %select_n3A, %add3A_191 : i32
        %mul3A_193 = arith.constant 8 : i32
        %mul3A_194 = arith.muli %add3A_192, %mul3A_193 : i32
        %add3A_195 = arith.constant 1 : i32
        %add3A_196 = arith.addi %select_n3A, %add3A_195 : i32
        %rem3A_197 = arith.constant 2 : i32
        %rem3A_198 = arith.remsi %add3A_196, %rem3A_197 : i32
        %mul3A_199 = arith.constant 8 : i32
        %mul3A_200 = arith.muli %rem3A_198, %mul3A_199 : i32
        %dma_start3A_201 = arith.constant 1 : i32
        %dma_start3A_202 = arith.constant 0 : i32
        %dma_start3A_203 = tpu.memref_slice %arg7[%mul3A_200, %dma_start3A_202] : memref<16x125xi32, #tpu.memory_space<vmem>> -> memref<8x125xi32, #tpu.memory_space<vmem>>
        %dma_start3A_204 = arith.constant 0 : i32
        %dma_start3A_205 = tpu.memref_slice %arg3[%dma_start3A_201, %add3A, %mul3A_194, %dma_start3A_204] : memref<2x32x80x125xi32, #tpu.memory_space<hbm>> -> memref<1x1x8x125xi32, #tpu.memory_space<hbm>>
        %dma_start3A_206 = tpu.memref_squeeze %dma_start3A_205 : memref<1x1x8x125xi32, #tpu.memory_space<hbm>> -> memref<8x125xi32, #tpu.memory_space<hbm>>
        %dma_start3A_207 = arith.constant 0 : i32
        %dma_start3A_208 = tpu.memref_slice %arg7[%mul3A_200, %dma_start3A_207] : memref<16x125xi32, #tpu.memory_space<vmem>> -> memref<8x125xi32, #tpu.memory_space<vmem>>
        %dma_start3A_209 = arith.constant 0 : i32
        %dma_start3A_210 = tpu.memref_slice %arg3[%dma_start3A_201, %add3A, %mul3A_194, %dma_start3A_209] : memref<2x32x80x125xi32, #tpu.memory_space<hbm>> -> memref<1x1x8x125xi32, #tpu.memory_space<hbm>>
        %dma_start3A_211 = tpu.memref_squeeze %dma_start3A_210 : memref<1x1x8x125xi32, #tpu.memory_space<hbm>> -> memref<8x125xi32, #tpu.memory_space<hbm>>
        tpu.enqueue_dma source(%dma_start3A_211 : memref<8x125xi32, #tpu.memory_space<hbm>>) target(%dma_start3A_208 : memref<8x125xi32, #tpu.memory_space<vmem>>) target_semaphore(%arg13 : memref<!tpu.dma_semaphore, #tpu.memory_space<semaphore_mem>>)
      } else {
      }
      %scan3A_190 = arith.constant 0 : i32
      scf.yield %scan3A_190 : i32
    }
    %scan3A_112 = arith.constant 40 : i32
    %barrier3A_113 = arith.constant 0 : index
    tpu.barrier barrier_id(%barrier3A_113)
    "tpu.region"() ({
      %run_scoped3A_114 = tpu.sem_alloc : memref<!tpu.dma_semaphore, #tpu.memory_space<semaphore_mem>>
      %dma_start3A_115 = arith.constant 0 : i32
      %dma_start3A_116 = tpu.memref_slice %arg4[%arg0, %mul3A_22, %dma_start3A_115] : memref<2x10240x128xf32, #tpu.memory_space<hbm>> -> memref<1x640x128xf32, #tpu.memory_space<hbm>>
      %dma_start3A_117 = tpu.memref_squeeze %dma_start3A_116 : memref<1x640x128xf32, #tpu.memory_space<hbm>> -> memref<640x128xf32, #tpu.memory_space<hbm>>
      %dma_start3A_118 = arith.constant 0 : i32
      %dma_start3A_119 = tpu.memref_slice %arg11[%mul3A_22, %dma_start3A_118] : memref<10240x128xf32, #tpu.memory_space<vmem_shared>> -> memref<640x128xf32, #tpu.memory_space<vmem_shared>>
      tpu.enqueue_dma source(%dma_start3A_119 : memref<640x128xf32, #tpu.memory_space<vmem_shared>>) target(%dma_start3A_117 : memref<640x128xf32, #tpu.memory_space<hbm>>) target_semaphore(%run_scoped3A_114 : memref<!tpu.dma_semaphore, #tpu.memory_space<semaphore_mem>>)
      %dma_wait3A = arith.constant 0 : i32
      %dma_wait3A_120 = tpu.memref_slice %arg4[%arg0, %mul3A_22, %dma_wait3A] : memref<2x10240x128xf32, #tpu.memory_space<hbm>> -> memref<1x640x128xf32, #tpu.memory_space<hbm>>
      %dma_wait3A_121 = tpu.memref_squeeze %dma_wait3A_120 : memref<1x640x128xf32, #tpu.memory_space<hbm>> -> memref<640x128xf32, #tpu.memory_space<hbm>>
      %dma_wait3A_122 = arith.constant 0 : i32
      %dma_wait3A_123 = tpu.memref_slice %arg11[%mul3A_22, %dma_wait3A_122] : memref<10240x128xf32, #tpu.memory_space<vmem_shared>> -> memref<640x128xf32, #tpu.memory_space<vmem_shared>>
      tpu.wait_dma2 semaphore(%run_scoped3A_114 : memref<!tpu.dma_semaphore, #tpu.memory_space<semaphore_mem>>) src(%dma_wait3A_123 : memref<640x128xf32, #tpu.memory_space<vmem_shared>>) dst(%dma_wait3A_121 : memref<640x128xf32, #tpu.memory_space<hbm>>)
      tpu.yield
    }) : () -> ()
    "tpu.region"() ({
      %run_scoped3A_114 = tpu.sem_alloc : memref<!tpu.dma_semaphore, #tpu.memory_space<semaphore_mem>>
      %dma_start3A_115 = tpu.memref_slice %arg5[%arg0, %mul3A_22] : memref<2x10240xf32, #tpu.memory_space<hbm>> -> memref<1x640xf32, #tpu.memory_space<hbm>>
      %dma_start3A_116 = tpu.memref_squeeze %dma_start3A_115 : memref<1x640xf32, #tpu.memory_space<hbm>> -> memref<640xf32, #tpu.memory_space<hbm>>
      %dma_start3A_117 = tpu.memref_slice %arg12[%mul3A_22] : memref<10240xf32, #tpu.memory_space<vmem_shared>> -> memref<640xf32, #tpu.memory_space<vmem_shared>>
      tpu.enqueue_dma source(%dma_start3A_117 : memref<640xf32, #tpu.memory_space<vmem_shared>>) target(%dma_start3A_116 : memref<640xf32, #tpu.memory_space<hbm>>) target_semaphore(%run_scoped3A_114 : memref<!tpu.dma_semaphore, #tpu.memory_space<semaphore_mem>>)
      %dma_wait3A = tpu.memref_slice %arg5[%arg0, %mul3A_22] : memref<2x10240xf32, #tpu.memory_space<hbm>> -> memref<1x640xf32, #tpu.memory_space<hbm>>
      %dma_wait3A_118 = tpu.memref_squeeze %dma_wait3A : memref<1x640xf32, #tpu.memory_space<hbm>> -> memref<640xf32, #tpu.memory_space<hbm>>
      %dma_wait3A_119 = tpu.memref_slice %arg12[%mul3A_22] : memref<10240xf32, #tpu.memory_space<vmem_shared>> -> memref<640xf32, #tpu.memory_space<vmem_shared>>
      tpu.wait_dma2 semaphore(%run_scoped3A_114 : memref<!tpu.dma_semaphore, #tpu.memory_space<semaphore_mem>>) src(%dma_wait3A_119 : memref<640xf32, #tpu.memory_space<vmem_shared>>) dst(%dma_wait3A_118 : memref<640xf32, #tpu.memory_space<hbm>>)
      tpu.yield
    }) : () -> ()
    return
  }
}

#map = affine_map<(d0, d1) -> (0, 0)>
#map1 = affine_map<(d0, d1) -> (0, 0, 0, 0)>
#map2 = affine_map<(d0, d1) -> (0, 0, 0)>
module attributes {stable_mosaic.version = 14 : i64} {
  func.func @_agg_body(%arg0: i32, %arg1: i32, %arg2: memref<10000x128xf32, #tpu.memory_space<hbm>>, %arg3: memref<2x32x80x125xi32, #tpu.memory_space<hbm>>, %arg4: memref<2x10240x128xf32, #tpu.memory_space<hbm>>, %arg5: memref<80x125xi32, #tpu.memory_space<vmem>>, %arg6: memref<16x125xi32, #tpu.memory_space<vmem>>, %arg7: memref<256x128xf32, #tpu.memory_space<vmem>>, %arg8: memref<10240x128xf32, #tpu.memory_space<vmem_shared>>, %arg9: memref<!tpu.dma_semaphore, #tpu.memory_space<semaphore_mem>>, %arg10: memref<!tpu.dma_semaphore, #tpu.memory_space<semaphore_mem>>, %arg11: memref<!tpu.dma_semaphore, #tpu.memory_space<semaphore_mem>>) attributes {dimension_semantics = [#tpu.dimension_semantics<core_parallel>, #tpu.dimension_semantics<subcore_parallel>], iteration_bounds = array<i64: 2, 16>, scalar_prefetch = 0 : i64, scratch_operands = 7 : i64, tpu.core_type = #tpu.core_type<sc_vector_subcore>, window_params = [{transform_indices = #map}, {transform_indices = #map1}, {transform_indices = #map2}]} {
    %mul3A = arith.constant 16 : i32
    %mul3A_0 = arith.muli %arg0, %mul3A : i32
    %add3A = arith.addi %mul3A_0, %arg1 : i32
    %run_scoped3A = arith.constant 0 : i32
    "tpu.region"() ({
      %run_scoped3A_61 = tpu.sem_alloc : memref<!tpu.dma_semaphore, #tpu.memory_space<semaphore_mem>>
      %dma_start3A_62 = arith.constant 0 : i32
      %dma_start3A_63 = arith.constant 0 : i32
      %dma_start3A_64 = tpu.memref_slice %arg3[%run_scoped3A, %add3A, %dma_start3A_62, %dma_start3A_63] : memref<2x32x80x125xi32, #tpu.memory_space<hbm>> -> memref<1x1x80x125xi32, #tpu.memory_space<hbm>>
      %dma_start3A_65 = tpu.memref_squeeze %dma_start3A_64 : memref<1x1x80x125xi32, #tpu.memory_space<hbm>> -> memref<80x125xi32, #tpu.memory_space<hbm>>
      %dma_start3A_66 = arith.constant 0 : i32
      %dma_start3A_67 = arith.constant 0 : i32
      %dma_start3A_68 = tpu.memref_slice %arg3[%run_scoped3A, %add3A, %dma_start3A_66, %dma_start3A_67] : memref<2x32x80x125xi32, #tpu.memory_space<hbm>> -> memref<1x1x80x125xi32, #tpu.memory_space<hbm>>
      %dma_start3A_69 = tpu.memref_squeeze %dma_start3A_68 : memref<1x1x80x125xi32, #tpu.memory_space<hbm>> -> memref<80x125xi32, #tpu.memory_space<hbm>>
      tpu.enqueue_dma source(%dma_start3A_69 : memref<80x125xi32, #tpu.memory_space<hbm>>) target(%arg5 : memref<80x125xi32, #tpu.memory_space<vmem>>) target_semaphore(%run_scoped3A_61 : memref<!tpu.dma_semaphore, #tpu.memory_space<semaphore_mem>>)
      %dma_wait3A = arith.constant 0 : i32
      %dma_wait3A_70 = arith.constant 0 : i32
      %dma_wait3A_71 = tpu.memref_slice %arg3[%run_scoped3A, %add3A, %dma_wait3A, %dma_wait3A_70] : memref<2x32x80x125xi32, #tpu.memory_space<hbm>> -> memref<1x1x80x125xi32, #tpu.memory_space<hbm>>
      %dma_wait3A_72 = tpu.memref_squeeze %dma_wait3A_71 : memref<1x1x80x125xi32, #tpu.memory_space<hbm>> -> memref<80x125xi32, #tpu.memory_space<hbm>>
      %dma_wait3A_73 = arith.constant 0 : i32
      %dma_wait3A_74 = arith.constant 0 : i32
      %dma_wait3A_75 = tpu.memref_slice %arg3[%run_scoped3A, %add3A, %dma_wait3A_73, %dma_wait3A_74] : memref<2x32x80x125xi32, #tpu.memory_space<hbm>> -> memref<1x1x80x125xi32, #tpu.memory_space<hbm>>
      %dma_wait3A_76 = tpu.memref_squeeze %dma_wait3A_75 : memref<1x1x80x125xi32, #tpu.memory_space<hbm>> -> memref<80x125xi32, #tpu.memory_space<hbm>>
      tpu.wait_dma2 semaphore(%run_scoped3A_61 : memref<!tpu.dma_semaphore, #tpu.memory_space<semaphore_mem>>) src(%dma_wait3A_76 : memref<80x125xi32, #tpu.memory_space<hbm>>) dst(%arg5 : memref<80x125xi32, #tpu.memory_space<vmem>>)
      tpu.yield
    }) : () -> ()
    %dma_start3A = arith.constant 1 : i32
    %dma_start3A_1 = arith.constant 0 : i32
    %dma_start3A_2 = arith.constant 0 : i32
    %dma_start3A_3 = tpu.memref_slice %arg6[%dma_start3A_1, %dma_start3A_2] : memref<16x125xi32, #tpu.memory_space<vmem>> -> memref<8x125xi32, #tpu.memory_space<vmem>>
    %dma_start3A_4 = arith.constant 0 : i32
    %dma_start3A_5 = arith.constant 0 : i32
    %dma_start3A_6 = tpu.memref_slice %arg3[%dma_start3A, %add3A, %dma_start3A_4, %dma_start3A_5] : memref<2x32x80x125xi32, #tpu.memory_space<hbm>> -> memref<1x1x8x125xi32, #tpu.memory_space<hbm>>
    %dma_start3A_7 = tpu.memref_squeeze %dma_start3A_6 : memref<1x1x8x125xi32, #tpu.memory_space<hbm>> -> memref<8x125xi32, #tpu.memory_space<hbm>>
    %dma_start3A_8 = arith.constant 0 : i32
    %dma_start3A_9 = arith.constant 0 : i32
    %dma_start3A_10 = tpu.memref_slice %arg6[%dma_start3A_8, %dma_start3A_9] : memref<16x125xi32, #tpu.memory_space<vmem>> -> memref<8x125xi32, #tpu.memory_space<vmem>>
    %dma_start3A_11 = arith.constant 0 : i32
    %dma_start3A_12 = arith.constant 0 : i32
    %dma_start3A_13 = tpu.memref_slice %arg3[%dma_start3A, %add3A, %dma_start3A_11, %dma_start3A_12] : memref<2x32x80x125xi32, #tpu.memory_space<hbm>> -> memref<1x1x8x125xi32, #tpu.memory_space<hbm>>
    %dma_start3A_14 = tpu.memref_squeeze %dma_start3A_13 : memref<1x1x8x125xi32, #tpu.memory_space<hbm>> -> memref<8x125xi32, #tpu.memory_space<hbm>>
    tpu.enqueue_dma source(%dma_start3A_14 : memref<8x125xi32, #tpu.memory_space<hbm>>) target(%dma_start3A_10 : memref<8x125xi32, #tpu.memory_space<vmem>>) target_semaphore(%arg9 : memref<!tpu.dma_semaphore, #tpu.memory_space<semaphore_mem>>)
    %scan3A = arith.constant 0 : i32
    %scan3A_15 = arith.constant 0 : i32
    %scan3A_16 = arith.constant 128 : i32
    %scan3A_17 = arith.addi %scan3A_15, %scan3A_16 : i32
    %scan3A_18 = arith.constant 1 : i32
    %scan3A_19 = scf.for %scan3A_61 = %scan3A_15 to %scan3A_17 step %scan3A_18 iter_args(%scan3A_62 = %scan3A) -> (i32)  : i32 {
      %broadcast_in_dim3A = arith.constant 0.000000e+00 : f32
      %broadcast_in_dim3A_63 = vector.broadcast %broadcast_in_dim3A : f32 to vector<16xf32>
      %swap3A = arith.index_cast %scan3A_61 : i32 to index
      %swap3A_64 = arith.constant 0 : index
      %swap3A_65 = tpu.vector_load %arg7[%swap3A, %swap3A_64] {strides = array<i32>} : memref<256x128xf32, #tpu.memory_space<vmem>>, vector<1x16xf32>,
      %swap3A_66 = vector.shape_cast %swap3A_65 : vector<1x16xf32> to vector<16xf32>
      %swap3A_67 = vector.shape_cast %broadcast_in_dim3A_63 : vector<16xf32> to vector<1x16xf32>
      tpu.vector_store %arg7[%swap3A, %swap3A_64], %swap3A_67 {strides = array<i32>} : memref<256x128xf32, #tpu.memory_space<vmem>>, vector<1x16xf32>,
      %broadcast_in_dim3A_68 = arith.constant 0.000000e+00 : f32
      %broadcast_in_dim3A_69 = vector.broadcast %broadcast_in_dim3A_68 : f32 to vector<16xf32>
      %swap3A_70 = arith.index_cast %scan3A_61 : i32 to index
      %swap3A_71 = arith.constant 16 : index
      %swap3A_72 = tpu.vector_load %arg7[%swap3A_70, %swap3A_71] {strides = array<i32>} : memref<256x128xf32, #tpu.memory_space<vmem>>, vector<1x16xf32>,
      %swap3A_73 = vector.shape_cast %swap3A_72 : vector<1x16xf32> to vector<16xf32>
      %swap3A_74 = vector.shape_cast %broadcast_in_dim3A_69 : vector<16xf32> to vector<1x16xf32>
      tpu.vector_store %arg7[%swap3A_70, %swap3A_71], %swap3A_74 {strides = array<i32>} : memref<256x128xf32, #tpu.memory_space<vmem>>, vector<1x16xf32>,
      %broadcast_in_dim3A_75 = arith.constant 0.000000e+00 : f32
      %broadcast_in_dim3A_76 = vector.broadcast %broadcast_in_dim3A_75 : f32 to vector<16xf32>
      %swap3A_77 = arith.index_cast %scan3A_61 : i32 to index
      %swap3A_78 = arith.constant 32 : index
      %swap3A_79 = tpu.vector_load %arg7[%swap3A_77, %swap3A_78] {strides = array<i32>} : memref<256x128xf32, #tpu.memory_space<vmem>>, vector<1x16xf32>,
      %swap3A_80 = vector.shape_cast %swap3A_79 : vector<1x16xf32> to vector<16xf32>
      %swap3A_81 = vector.shape_cast %broadcast_in_dim3A_76 : vector<16xf32> to vector<1x16xf32>
      tpu.vector_store %arg7[%swap3A_77, %swap3A_78], %swap3A_81 {strides = array<i32>} : memref<256x128xf32, #tpu.memory_space<vmem>>, vector<1x16xf32>,
      %broadcast_in_dim3A_82 = arith.constant 0.000000e+00 : f32
      %broadcast_in_dim3A_83 = vector.broadcast %broadcast_in_dim3A_82 : f32 to vector<16xf32>
      %swap3A_84 = arith.index_cast %scan3A_61 : i32 to index
      %swap3A_85 = arith.constant 48 : index
      %swap3A_86 = tpu.vector_load %arg7[%swap3A_84, %swap3A_85] {strides = array<i32>} : memref<256x128xf32, #tpu.memory_space<vmem>>, vector<1x16xf32>,
      %swap3A_87 = vector.shape_cast %swap3A_86 : vector<1x16xf32> to vector<16xf32>
      %swap3A_88 = vector.shape_cast %broadcast_in_dim3A_83 : vector<16xf32> to vector<1x16xf32>
      tpu.vector_store %arg7[%swap3A_84, %swap3A_85], %swap3A_88 {strides = array<i32>} : memref<256x128xf32, #tpu.memory_space<vmem>>, vector<1x16xf32>,
      %broadcast_in_dim3A_89 = arith.constant 0.000000e+00 : f32
      %broadcast_in_dim3A_90 = vector.broadcast %broadcast_in_dim3A_89 : f32 to vector<16xf32>
      %swap3A_91 = arith.index_cast %scan3A_61 : i32 to index
      %swap3A_92 = arith.constant 64 : index
      %swap3A_93 = tpu.vector_load %arg7[%swap3A_91, %swap3A_92] {strides = array<i32>} : memref<256x128xf32, #tpu.memory_space<vmem>>, vector<1x16xf32>,
      %swap3A_94 = vector.shape_cast %swap3A_93 : vector<1x16xf32> to vector<16xf32>
      %swap3A_95 = vector.shape_cast %broadcast_in_dim3A_90 : vector<16xf32> to vector<1x16xf32>
      tpu.vector_store %arg7[%swap3A_91, %swap3A_92], %swap3A_95 {strides = array<i32>} : memref<256x128xf32, #tpu.memory_space<vmem>>, vector<1x16xf32>,
      %broadcast_in_dim3A_96 = arith.constant 0.000000e+00 : f32
      %broadcast_in_dim3A_97 = vector.broadcast %broadcast_in_dim3A_96 : f32 to vector<16xf32>
      %swap3A_98 = arith.index_cast %scan3A_61 : i32 to index
      %swap3A_99 = arith.constant 80 : index
      %swap3A_100 = tpu.vector_load %arg7[%swap3A_98, %swap3A_99] {strides = array<i32>} : memref<256x128xf32, #tpu.memory_space<vmem>>, vector<1x16xf32>,
      %swap3A_101 = vector.shape_cast %swap3A_100 : vector<1x16xf32> to vector<16xf32>
      %swap3A_102 = vector.shape_cast %broadcast_in_dim3A_97 : vector<16xf32> to vector<1x16xf32>
      tpu.vector_store %arg7[%swap3A_98, %swap3A_99], %swap3A_102 {strides = array<i32>} : memref<256x128xf32, #tpu.memory_space<vmem>>, vector<1x16xf32>,
      %broadcast_in_dim3A_103 = arith.constant 0.000000e+00 : f32
      %broadcast_in_dim3A_104 = vector.broadcast %broadcast_in_dim3A_103 : f32 to vector<16xf32>
      %swap3A_105 = arith.index_cast %scan3A_61 : i32 to index
      %swap3A_106 = arith.constant 96 : index
      %swap3A_107 = tpu.vector_load %arg7[%swap3A_105, %swap3A_106] {strides = array<i32>} : memref<256x128xf32, #tpu.memory_space<vmem>>, vector<1x16xf32>,
      %swap3A_108 = vector.shape_cast %swap3A_107 : vector<1x16xf32> to vector<16xf32>
      %swap3A_109 = vector.shape_cast %broadcast_in_dim3A_104 : vector<16xf32> to vector<1x16xf32>
      tpu.vector_store %arg7[%swap3A_105, %swap3A_106], %swap3A_109 {strides = array<i32>} : memref<256x128xf32, #tpu.memory_space<vmem>>, vector<1x16xf32>,
      %broadcast_in_dim3A_110 = arith.constant 0.000000e+00 : f32
      %broadcast_in_dim3A_111 = vector.broadcast %broadcast_in_dim3A_110 : f32 to vector<16xf32>
      %swap3A_112 = arith.index_cast %scan3A_61 : i32 to index
      %swap3A_113 = arith.constant 112 : index
      %swap3A_114 = tpu.vector_load %arg7[%swap3A_112, %swap3A_113] {strides = array<i32>} : memref<256x128xf32, #tpu.memory_space<vmem>>, vector<1x16xf32>,
      %swap3A_115 = vector.shape_cast %swap3A_114 : vector<1x16xf32> to vector<16xf32>
      %swap3A_116 = vector.shape_cast %broadcast_in_dim3A_111 : vector<16xf32> to vector<1x16xf32>
      tpu.vector_store %arg7[%swap3A_112, %swap3A_113], %swap3A_116 {strides = array<i32>} : memref<256x128xf32, #tpu.memory_space<vmem>>, vector<1x16xf32>,
      %scan3A_117 = arith.constant 0 : i32
      scf.yield %scan3A_117 : i32
    }
    %scan3A_20 = arith.constant 128 : i32
    %mul3A_21 = arith.constant 640 : i32
    %mul3A_22 = arith.muli %arg1, %mul3A_21 : i32
    %add3A_23 = arith.constant 0 : i32
    %add3A_24 = arith.addi %mul3A_22, %add3A_23 : i32
    "tpu.region"() ({
      %run_scoped3A_61 = tpu.sem_alloc : memref<!tpu.dma_semaphore, #tpu.memory_space<semaphore_mem>>
      %dma_start3A_62 = arith.constant 0 : i32
      %dma_start3A_63 = arith.constant 0 : i32
      %dma_start3A_64 = tpu.memref_slice %arg7[%dma_start3A_62, %dma_start3A_63] : memref<256x128xf32, #tpu.memory_space<vmem>> -> memref<128x128xf32, #tpu.memory_space<vmem>>
      %dma_start3A_65 = arith.constant 0 : i32
      %dma_start3A_66 = tpu.memref_slice %arg8[%add3A_24, %dma_start3A_65] : memref<10240x128xf32, #tpu.memory_space<vmem_shared>> -> memref<128x128xf32, #tpu.memory_space<vmem_shared>>
      %dma_start3A_67 = arith.constant 0 : i32
      %dma_start3A_68 = tpu.memref_slice %arg8[%add3A_24, %dma_start3A_67] : memref<10240x128xf32, #tpu.memory_space<vmem_shared>> -> memref<128x128xf32, #tpu.memory_space<vmem_shared>>
      %dma_start3A_69 = arith.constant 0 : i32
      %dma_start3A_70 = arith.constant 0 : i32
      %dma_start3A_71 = tpu.memref_slice %arg7[%dma_start3A_69, %dma_start3A_70] : memref<256x128xf32, #tpu.memory_space<vmem>> -> memref<128x128xf32, #tpu.memory_space<vmem>>
      tpu.enqueue_dma source(%dma_start3A_71 : memref<128x128xf32, #tpu.memory_space<vmem>>) target(%dma_start3A_68 : memref<128x128xf32, #tpu.memory_space<vmem_shared>>) target_semaphore(%run_scoped3A_61 : memref<!tpu.dma_semaphore, #tpu.memory_space<semaphore_mem>>)
      %dma_wait3A = arith.constant 0 : i32
      %dma_wait3A_72 = arith.constant 0 : i32
      %dma_wait3A_73 = tpu.memref_slice %arg7[%dma_wait3A, %dma_wait3A_72] : memref<256x128xf32, #tpu.memory_space<vmem>> -> memref<128x128xf32, #tpu.memory_space<vmem>>
      %dma_wait3A_74 = arith.constant 0 : i32
      %dma_wait3A_75 = tpu.memref_slice %arg8[%add3A_24, %dma_wait3A_74] : memref<10240x128xf32, #tpu.memory_space<vmem_shared>> -> memref<128x128xf32, #tpu.memory_space<vmem_shared>>
      %dma_wait3A_76 = arith.constant 0 : i32
      %dma_wait3A_77 = tpu.memref_slice %arg8[%add3A_24, %dma_wait3A_76] : memref<10240x128xf32, #tpu.memory_space<vmem_shared>> -> memref<128x128xf32, #tpu.memory_space<vmem_shared>>
      %dma_wait3A_78 = arith.constant 0 : i32
      %dma_wait3A_79 = arith.constant 0 : i32
      %dma_wait3A_80 = tpu.memref_slice %arg7[%dma_wait3A_78, %dma_wait3A_79] : memref<256x128xf32, #tpu.memory_space<vmem>> -> memref<128x128xf32, #tpu.memory_space<vmem>>
      tpu.wait_dma2 semaphore(%run_scoped3A_61 : memref<!tpu.dma_semaphore, #tpu.memory_space<semaphore_mem>>) src(%dma_wait3A_80 : memref<128x128xf32, #tpu.memory_space<vmem>>) dst(%dma_wait3A_77 : memref<128x128xf32, #tpu.memory_space<vmem_shared>>)
      tpu.yield
    }) : () -> ()
    %add3A_25 = arith.constant 128 : i32
    %add3A_26 = arith.addi %mul3A_22, %add3A_25 : i32
    "tpu.region"() ({
      %run_scoped3A_61 = tpu.sem_alloc : memref<!tpu.dma_semaphore, #tpu.memory_space<semaphore_mem>>
      %dma_start3A_62 = arith.constant 0 : i32
      %dma_start3A_63 = arith.constant 0 : i32
      %dma_start3A_64 = tpu.memref_slice %arg7[%dma_start3A_62, %dma_start3A_63] : memref<256x128xf32, #tpu.memory_space<vmem>> -> memref<128x128xf32, #tpu.memory_space<vmem>>
      %dma_start3A_65 = arith.constant 0 : i32
      %dma_start3A_66 = tpu.memref_slice %arg8[%add3A_26, %dma_start3A_65] : memref<10240x128xf32, #tpu.memory_space<vmem_shared>> -> memref<128x128xf32, #tpu.memory_space<vmem_shared>>
      %dma_start3A_67 = arith.constant 0 : i32
      %dma_start3A_68 = tpu.memref_slice %arg8[%add3A_26, %dma_start3A_67] : memref<10240x128xf32, #tpu.memory_space<vmem_shared>> -> memref<128x128xf32, #tpu.memory_space<vmem_shared>>
      %dma_start3A_69 = arith.constant 0 : i32
      %dma_start3A_70 = arith.constant 0 : i32
      %dma_start3A_71 = tpu.memref_slice %arg7[%dma_start3A_69, %dma_start3A_70] : memref<256x128xf32, #tpu.memory_space<vmem>> -> memref<128x128xf32, #tpu.memory_space<vmem>>
      tpu.enqueue_dma source(%dma_start3A_71 : memref<128x128xf32, #tpu.memory_space<vmem>>) target(%dma_start3A_68 : memref<128x128xf32, #tpu.memory_space<vmem_shared>>) target_semaphore(%run_scoped3A_61 : memref<!tpu.dma_semaphore, #tpu.memory_space<semaphore_mem>>)
      %dma_wait3A = arith.constant 0 : i32
      %dma_wait3A_72 = arith.constant 0 : i32
      %dma_wait3A_73 = tpu.memref_slice %arg7[%dma_wait3A, %dma_wait3A_72] : memref<256x128xf32, #tpu.memory_space<vmem>> -> memref<128x128xf32, #tpu.memory_space<vmem>>
      %dma_wait3A_74 = arith.constant 0 : i32
      %dma_wait3A_75 = tpu.memref_slice %arg8[%add3A_26, %dma_wait3A_74] : memref<10240x128xf32, #tpu.memory_space<vmem_shared>> -> memref<128x128xf32, #tpu.memory_space<vmem_shared>>
      %dma_wait3A_76 = arith.constant 0 : i32
      %dma_wait3A_77 = tpu.memref_slice %arg8[%add3A_26, %dma_wait3A_76] : memref<10240x128xf32, #tpu.memory_space<vmem_shared>> -> memref<128x128xf32, #tpu.memory_space<vmem_shared>>
      %dma_wait3A_78 = arith.constant 0 : i32
      %dma_wait3A_79 = arith.constant 0 : i32
      %dma_wait3A_80 = tpu.memref_slice %arg7[%dma_wait3A_78, %dma_wait3A_79] : memref<256x128xf32, #tpu.memory_space<vmem>> -> memref<128x128xf32, #tpu.memory_space<vmem>>
      tpu.wait_dma2 semaphore(%run_scoped3A_61 : memref<!tpu.dma_semaphore, #tpu.memory_space<semaphore_mem>>) src(%dma_wait3A_80 : memref<128x128xf32, #tpu.memory_space<vmem>>) dst(%dma_wait3A_77 : memref<128x128xf32, #tpu.memory_space<vmem_shared>>)
      tpu.yield
    }) : () -> ()
    %add3A_27 = arith.constant 256 : i32
    %add3A_28 = arith.addi %mul3A_22, %add3A_27 : i32
    "tpu.region"() ({
      %run_scoped3A_61 = tpu.sem_alloc : memref<!tpu.dma_semaphore, #tpu.memory_space<semaphore_mem>>
      %dma_start3A_62 = arith.constant 0 : i32
      %dma_start3A_63 = arith.constant 0 : i32
      %dma_start3A_64 = tpu.memref_slice %arg7[%dma_start3A_62, %dma_start3A_63] : memref<256x128xf32, #tpu.memory_space<vmem>> -> memref<128x128xf32, #tpu.memory_space<vmem>>
      %dma_start3A_65 = arith.constant 0 : i32
      %dma_start3A_66 = tpu.memref_slice %arg8[%add3A_28, %dma_start3A_65] : memref<10240x128xf32, #tpu.memory_space<vmem_shared>> -> memref<128x128xf32, #tpu.memory_space<vmem_shared>>
      %dma_start3A_67 = arith.constant 0 : i32
      %dma_start3A_68 = tpu.memref_slice %arg8[%add3A_28, %dma_start3A_67] : memref<10240x128xf32, #tpu.memory_space<vmem_shared>> -> memref<128x128xf32, #tpu.memory_space<vmem_shared>>
      %dma_start3A_69 = arith.constant 0 : i32
      %dma_start3A_70 = arith.constant 0 : i32
      %dma_start3A_71 = tpu.memref_slice %arg7[%dma_start3A_69, %dma_start3A_70] : memref<256x128xf32, #tpu.memory_space<vmem>> -> memref<128x128xf32, #tpu.memory_space<vmem>>
      tpu.enqueue_dma source(%dma_start3A_71 : memref<128x128xf32, #tpu.memory_space<vmem>>) target(%dma_start3A_68 : memref<128x128xf32, #tpu.memory_space<vmem_shared>>) target_semaphore(%run_scoped3A_61 : memref<!tpu.dma_semaphore, #tpu.memory_space<semaphore_mem>>)
      %dma_wait3A = arith.constant 0 : i32
      %dma_wait3A_72 = arith.constant 0 : i32
      %dma_wait3A_73 = tpu.memref_slice %arg7[%dma_wait3A, %dma_wait3A_72] : memref<256x128xf32, #tpu.memory_space<vmem>> -> memref<128x128xf32, #tpu.memory_space<vmem>>
      %dma_wait3A_74 = arith.constant 0 : i32
      %dma_wait3A_75 = tpu.memref_slice %arg8[%add3A_28, %dma_wait3A_74] : memref<10240x128xf32, #tpu.memory_space<vmem_shared>> -> memref<128x128xf32, #tpu.memory_space<vmem_shared>>
      %dma_wait3A_76 = arith.constant 0 : i32
      %dma_wait3A_77 = tpu.memref_slice %arg8[%add3A_28, %dma_wait3A_76] : memref<10240x128xf32, #tpu.memory_space<vmem_shared>> -> memref<128x128xf32, #tpu.memory_space<vmem_shared>>
      %dma_wait3A_78 = arith.constant 0 : i32
      %dma_wait3A_79 = arith.constant 0 : i32
      %dma_wait3A_80 = tpu.memref_slice %arg7[%dma_wait3A_78, %dma_wait3A_79] : memref<256x128xf32, #tpu.memory_space<vmem>> -> memref<128x128xf32, #tpu.memory_space<vmem>>
      tpu.wait_dma2 semaphore(%run_scoped3A_61 : memref<!tpu.dma_semaphore, #tpu.memory_space<semaphore_mem>>) src(%dma_wait3A_80 : memref<128x128xf32, #tpu.memory_space<vmem>>) dst(%dma_wait3A_77 : memref<128x128xf32, #tpu.memory_space<vmem_shared>>)
      tpu.yield
    }) : () -> ()
    %add3A_29 = arith.constant 384 : i32
    %add3A_30 = arith.addi %mul3A_22, %add3A_29 : i32
    "tpu.region"() ({
      %run_scoped3A_61 = tpu.sem_alloc : memref<!tpu.dma_semaphore, #tpu.memory_space<semaphore_mem>>
      %dma_start3A_62 = arith.constant 0 : i32
      %dma_start3A_63 = arith.constant 0 : i32
      %dma_start3A_64 = tpu.memref_slice %arg7[%dma_start3A_62, %dma_start3A_63] : memref<256x128xf32, #tpu.memory_space<vmem>> -> memref<128x128xf32, #tpu.memory_space<vmem>>
      %dma_start3A_65 = arith.constant 0 : i32
      %dma_start3A_66 = tpu.memref_slice %arg8[%add3A_30, %dma_start3A_65] : memref<10240x128xf32, #tpu.memory_space<vmem_shared>> -> memref<128x128xf32, #tpu.memory_space<vmem_shared>>
      %dma_start3A_67 = arith.constant 0 : i32
      %dma_start3A_68 = tpu.memref_slice %arg8[%add3A_30, %dma_start3A_67] : memref<10240x128xf32, #tpu.memory_space<vmem_shared>> -> memref<128x128xf32, #tpu.memory_space<vmem_shared>>
      %dma_start3A_69 = arith.constant 0 : i32
      %dma_start3A_70 = arith.constant 0 : i32
      %dma_start3A_71 = tpu.memref_slice %arg7[%dma_start3A_69, %dma_start3A_70] : memref<256x128xf32, #tpu.memory_space<vmem>> -> memref<128x128xf32, #tpu.memory_space<vmem>>
      tpu.enqueue_dma source(%dma_start3A_71 : memref<128x128xf32, #tpu.memory_space<vmem>>) target(%dma_start3A_68 : memref<128x128xf32, #tpu.memory_space<vmem_shared>>) target_semaphore(%run_scoped3A_61 : memref<!tpu.dma_semaphore, #tpu.memory_space<semaphore_mem>>)
      %dma_wait3A = arith.constant 0 : i32
      %dma_wait3A_72 = arith.constant 0 : i32
      %dma_wait3A_73 = tpu.memref_slice %arg7[%dma_wait3A, %dma_wait3A_72] : memref<256x128xf32, #tpu.memory_space<vmem>> -> memref<128x128xf32, #tpu.memory_space<vmem>>
      %dma_wait3A_74 = arith.constant 0 : i32
      %dma_wait3A_75 = tpu.memref_slice %arg8[%add3A_30, %dma_wait3A_74] : memref<10240x128xf32, #tpu.memory_space<vmem_shared>> -> memref<128x128xf32, #tpu.memory_space<vmem_shared>>
      %dma_wait3A_76 = arith.constant 0 : i32
      %dma_wait3A_77 = tpu.memref_slice %arg8[%add3A_30, %dma_wait3A_76] : memref<10240x128xf32, #tpu.memory_space<vmem_shared>> -> memref<128x128xf32, #tpu.memory_space<vmem_shared>>
      %dma_wait3A_78 = arith.constant 0 : i32
      %dma_wait3A_79 = arith.constant 0 : i32
      %dma_wait3A_80 = tpu.memref_slice %arg7[%dma_wait3A_78, %dma_wait3A_79] : memref<256x128xf32, #tpu.memory_space<vmem>> -> memref<128x128xf32, #tpu.memory_space<vmem>>
      tpu.wait_dma2 semaphore(%run_scoped3A_61 : memref<!tpu.dma_semaphore, #tpu.memory_space<semaphore_mem>>) src(%dma_wait3A_80 : memref<128x128xf32, #tpu.memory_space<vmem>>) dst(%dma_wait3A_77 : memref<128x128xf32, #tpu.memory_space<vmem_shared>>)
      tpu.yield
    }) : () -> ()
    %add3A_31 = arith.constant 512 : i32
    %add3A_32 = arith.addi %mul3A_22, %add3A_31 : i32
    "tpu.region"() ({
      %run_scoped3A_61 = tpu.sem_alloc : memref<!tpu.dma_semaphore, #tpu.memory_space<semaphore_mem>>
      %dma_start3A_62 = arith.constant 0 : i32
      %dma_start3A_63 = arith.constant 0 : i32
      %dma_start3A_64 = tpu.memref_slice %arg7[%dma_start3A_62, %dma_start3A_63] : memref<256x128xf32, #tpu.memory_space<vmem>> -> memref<128x128xf32, #tpu.memory_space<vmem>>
      %dma_start3A_65 = arith.constant 0 : i32
      %dma_start3A_66 = tpu.memref_slice %arg8[%add3A_32, %dma_start3A_65] : memref<10240x128xf32, #tpu.memory_space<vmem_shared>> -> memref<128x128xf32, #tpu.memory_space<vmem_shared>>
      %dma_start3A_67 = arith.constant 0 : i32
      %dma_start3A_68 = tpu.memref_slice %arg8[%add3A_32, %dma_start3A_67] : memref<10240x128xf32, #tpu.memory_space<vmem_shared>> -> memref<128x128xf32, #tpu.memory_space<vmem_shared>>
      %dma_start3A_69 = arith.constant 0 : i32
      %dma_start3A_70 = arith.constant 0 : i32
      %dma_start3A_71 = tpu.memref_slice %arg7[%dma_start3A_69, %dma_start3A_70] : memref<256x128xf32, #tpu.memory_space<vmem>> -> memref<128x128xf32, #tpu.memory_space<vmem>>
      tpu.enqueue_dma source(%dma_start3A_71 : memref<128x128xf32, #tpu.memory_space<vmem>>) target(%dma_start3A_68 : memref<128x128xf32, #tpu.memory_space<vmem_shared>>) target_semaphore(%run_scoped3A_61 : memref<!tpu.dma_semaphore, #tpu.memory_space<semaphore_mem>>)
      %dma_wait3A = arith.constant 0 : i32
      %dma_wait3A_72 = arith.constant 0 : i32
      %dma_wait3A_73 = tpu.memref_slice %arg7[%dma_wait3A, %dma_wait3A_72] : memref<256x128xf32, #tpu.memory_space<vmem>> -> memref<128x128xf32, #tpu.memory_space<vmem>>
      %dma_wait3A_74 = arith.constant 0 : i32
      %dma_wait3A_75 = tpu.memref_slice %arg8[%add3A_32, %dma_wait3A_74] : memref<10240x128xf32, #tpu.memory_space<vmem_shared>> -> memref<128x128xf32, #tpu.memory_space<vmem_shared>>
      %dma_wait3A_76 = arith.constant 0 : i32
      %dma_wait3A_77 = tpu.memref_slice %arg8[%add3A_32, %dma_wait3A_76] : memref<10240x128xf32, #tpu.memory_space<vmem_shared>> -> memref<128x128xf32, #tpu.memory_space<vmem_shared>>
      %dma_wait3A_78 = arith.constant 0 : i32
      %dma_wait3A_79 = arith.constant 0 : i32
      %dma_wait3A_80 = tpu.memref_slice %arg7[%dma_wait3A_78, %dma_wait3A_79] : memref<256x128xf32, #tpu.memory_space<vmem>> -> memref<128x128xf32, #tpu.memory_space<vmem>>
      tpu.wait_dma2 semaphore(%run_scoped3A_61 : memref<!tpu.dma_semaphore, #tpu.memory_space<semaphore_mem>>) src(%dma_wait3A_80 : memref<128x128xf32, #tpu.memory_space<vmem>>) dst(%dma_wait3A_77 : memref<128x128xf32, #tpu.memory_space<vmem_shared>>)
      tpu.yield
    }) : () -> ()
    %dma_start3A_33 = arith.constant 0 : i32
    %dma_start3A_34 = arith.constant 0 : i32
    %dma_start3A_35 = arith.constant 0 : i32
    %dma_start3A_36 = tpu.memref_slice %arg7[%dma_start3A_34, %dma_start3A_35] : memref<256x128xf32, #tpu.memory_space<vmem>> -> memref<125x128xf32, #tpu.memory_space<vmem>>
    %dma_start3A_37 = arith.constant 0 : i32
    %dma_start3A_38 = tpu.memref_slice %arg5[%dma_start3A_33, %dma_start3A_37] : memref<80x125xi32, #tpu.memory_space<vmem>> -> memref<1x125xi32, #tpu.memory_space<vmem>>
    %dma_start3A_39 = tpu.memref_squeeze %dma_start3A_38 : memref<1x125xi32, #tpu.memory_space<vmem>> -> memref<125xi32, #tpu.memory_space<vmem>>
    %dma_start3A_40 = arith.constant 0 : i32
    %dma_start3A_41 = arith.constant 0 : i32
    %dma_start3A_42 = tpu.memref_slice %arg2[%dma_start3A_40, %dma_start3A_41] : memref<10000x128xf32, #tpu.memory_space<hbm>> -> memref<10000x128xf32, #tpu.memory_space<hbm>>
    tpu.enqueue_indirect_dma source(%dma_start3A_42 : memref<10000x128xf32, #tpu.memory_space<hbm>>) target(%dma_start3A_36 : memref<125x128xf32, #tpu.memory_space<vmem>>) offsets(%dma_start3A_39 : memref<125xi32, #tpu.memory_space<vmem>>) semaphore(%arg10 : memref<!tpu.dma_semaphore, #tpu.memory_space<semaphore_mem>>)
    %dma_start3A_43 = arith.constant 1 : i32
    %dma_start3A_44 = arith.constant 128 : i32
    %dma_start3A_45 = arith.constant 0 : i32
    %dma_start3A_46 = tpu.memref_slice %arg7[%dma_start3A_44, %dma_start3A_45] : memref<256x128xf32, #tpu.memory_space<vmem>> -> memref<125x128xf32, #tpu.memory_space<vmem>>
    %dma_start3A_47 = arith.constant 0 : i32
    %dma_start3A_48 = tpu.memref_slice %arg5[%dma_start3A_43, %dma_start3A_47] : memref<80x125xi32, #tpu.memory_space<vmem>> -> memref<1x125xi32, #tpu.memory_space<vmem>>
    %dma_start3A_49 = tpu.memref_squeeze %dma_start3A_48 : memref<1x125xi32, #tpu.memory_space<vmem>> -> memref<125xi32, #tpu.memory_space<vmem>>
    %dma_start3A_50 = arith.constant 0 : i32
    %dma_start3A_51 = arith.constant 0 : i32
    %dma_start3A_52 = tpu.memref_slice %arg2[%dma_start3A_50, %dma_start3A_51] : memref<10000x128xf32, #tpu.memory_space<hbm>> -> memref<10000x128xf32, #tpu.memory_space<hbm>>
    tpu.enqueue_indirect_dma source(%dma_start3A_52 : memref<10000x128xf32, #tpu.memory_space<hbm>>) target(%dma_start3A_46 : memref<125x128xf32, #tpu.memory_space<vmem>>) offsets(%dma_start3A_49 : memref<125xi32, #tpu.memory_space<vmem>>) semaphore(%arg11 : memref<!tpu.dma_semaphore, #tpu.memory_space<semaphore_mem>>)
    %barrier3A = arith.constant 0 : index
    tpu.barrier barrier_id(%barrier3A)
    %scan3A_53 = arith.constant 0 : i32
    %scan3A_54 = arith.constant 0 : i32
    %scan3A_55 = arith.constant 40 : i32
    %scan3A_56 = arith.addi %scan3A_54, %scan3A_55 : i32
    %scan3A_57 = arith.constant 1 : i32
    %scan3A_58 = scf.for %scan3A_61 = %scan3A_54 to %scan3A_56 step %scan3A_57 iter_args(%scan3A_62 = %scan3A_53) -> (i32)  : i32 {
      %mul3A_63 = arith.constant 2 : i32
      %mul3A_64 = arith.muli %mul3A_63, %scan3A_61 : i32
      %jit3A = arith.constant 4 : i32
      %div3A = arith.divsi %scan3A_61, %jit3A : i32
      %sign3A = arith.constant 0 : i32
      %sign3A_65 = arith.cmpi sgt, %scan3A_61, %sign3A : i32
      %sign3A_66 = arith.extui %sign3A_65 : i1 to i32
      %sign3A_67 = arith.constant 0 : i32
      %sign3A_68 = arith.cmpi slt, %scan3A_61, %sign3A_67 : i32
      %sign3A_69 = arith.extui %sign3A_68 : i1 to i32
      %sign3A_70 = arith.subi %sign3A_66, %sign3A_69 : i32
      %sign3A_71 = arith.constant 0 : i32
      %sign3A_72 = arith.cmpi sgt, %jit3A, %sign3A_71 : i32
      %sign3A_73 = arith.extui %sign3A_72 : i1 to i32
      %sign3A_74 = arith.constant 0 : i32
      %sign3A_75 = arith.cmpi slt, %jit3A, %sign3A_74 : i32
      %sign3A_76 = arith.extui %sign3A_75 : i1 to i32
      %sign3A_77 = arith.subi %sign3A_73, %sign3A_76 : i32
      %ne3A = arith.cmpi ne, %sign3A_70, %sign3A_77 : i32
      %rem3A = arith.remsi %scan3A_61, %jit3A : i32
      %ne3A_78 = arith.constant 0 : i32
      %ne3A_79 = arith.cmpi ne, %rem3A, %ne3A_78 : i32
      %and3A = arith.andi %ne3A, %ne3A_79 : i1
      %sub3A = arith.constant 1 : i32
      %sub3A_80 = arith.subi %div3A, %sub3A : i32
      %select_n3A = arith.select %and3A, %sub3A_80, %div3A : i32
      %rem3A_81 = arith.constant 2 : i32
      %rem3A_82 = arith.remsi %select_n3A, %rem3A_81 : i32
      %rem3A_83 = arith.constant 8 : i32
      %rem3A_84 = arith.remsi %mul3A_64, %rem3A_83 : i32
      %eq3A = arith.constant 0 : i32
      %eq3A_85 = arith.cmpi eq, %rem3A_84, %eq3A : i32
      %convert_element_type3A = arith.extui %eq3A_85 : i1 to i32
      %cond3A = arith.constant 0 : i32
      %cond3A_86 = arith.cmpi ne, %convert_element_type3A, %cond3A : i32
      scf.if %cond3A_86 {
        %mul3A_138 = arith.constant 8 : i32
        %mul3A_139 = arith.muli %select_n3A, %mul3A_138 : i32
        %mul3A_140 = arith.constant 8 : i32
        %mul3A_141 = arith.muli %rem3A_82, %mul3A_140 : i32
        %dma_wait3A_142 = arith.constant 1 : i32
        %dma_wait3A_143 = arith.constant 0 : i32
        %dma_wait3A_144 = tpu.memref_slice %arg6[%mul3A_141, %dma_wait3A_143] : memref<16x125xi32, #tpu.memory_space<vmem>> -> memref<8x125xi32, #tpu.memory_space<vmem>>
        %dma_wait3A_145 = arith.constant 0 : i32
        %dma_wait3A_146 = tpu.memref_slice %arg3[%dma_wait3A_142, %add3A, %mul3A_139, %dma_wait3A_145] : memref<2x32x80x125xi32, #tpu.memory_space<hbm>> -> memref<1x1x8x125xi32, #tpu.memory_space<hbm>>
        %dma_wait3A_147 = tpu.memref_squeeze %dma_wait3A_146 : memref<1x1x8x125xi32, #tpu.memory_space<hbm>> -> memref<8x125xi32, #tpu.memory_space<hbm>>
        %dma_wait3A_148 = arith.constant 0 : i32
        %dma_wait3A_149 = tpu.memref_slice %arg6[%mul3A_141, %dma_wait3A_148] : memref<16x125xi32, #tpu.memory_space<vmem>> -> memref<8x125xi32, #tpu.memory_space<vmem>>
        %dma_wait3A_150 = arith.constant 0 : i32
        %dma_wait3A_151 = tpu.memref_slice %arg3[%dma_wait3A_142, %add3A, %mul3A_139, %dma_wait3A_150] : memref<2x32x80x125xi32, #tpu.memory_space<hbm>> -> memref<1x1x8x125xi32, #tpu.memory_space<hbm>>
        %dma_wait3A_152 = tpu.memref_squeeze %dma_wait3A_151 : memref<1x1x8x125xi32, #tpu.memory_space<hbm>> -> memref<8x125xi32, #tpu.memory_space<hbm>>
        tpu.wait_dma2 semaphore(%arg9 : memref<!tpu.dma_semaphore, #tpu.memory_space<semaphore_mem>>) src(%dma_wait3A_152 : memref<8x125xi32, #tpu.memory_space<hbm>>) dst(%dma_wait3A_149 : memref<8x125xi32, #tpu.memory_space<vmem>>)
      } else {
      }
      %dma_wait3A = arith.constant 0 : i32
      %dma_wait3A_87 = arith.constant 0 : i32
      %dma_wait3A_88 = tpu.memref_slice %arg7[%dma_wait3A, %dma_wait3A_87] : memref<256x128xf32, #tpu.memory_space<vmem>> -> memref<125x128xf32, #tpu.memory_space<vmem>>
      %dma_wait3A_89 = arith.constant 0 : i32
      %dma_wait3A_90 = tpu.memref_slice %arg5[%mul3A_64, %dma_wait3A_89] : memref<80x125xi32, #tpu.memory_space<vmem>> -> memref<1x125xi32, #tpu.memory_space<vmem>>
      %dma_wait3A_91 = tpu.memref_squeeze %dma_wait3A_90 : memref<1x125xi32, #tpu.memory_space<vmem>> -> memref<125xi32, #tpu.memory_space<vmem>>
      %dma_wait3A_92 = arith.constant 0 : i32
      %dma_wait3A_93 = arith.constant 0 : i32
      %dma_wait3A_94 = tpu.memref_slice %arg2[%dma_wait3A_92, %dma_wait3A_93] : memref<10000x128xf32, #tpu.memory_space<hbm>> -> memref<10000x128xf32, #tpu.memory_space<hbm>>
      tpu.wait_indirect_dma semaphore(%arg10 : memref<!tpu.dma_semaphore, #tpu.memory_space<semaphore_mem>>) src(%dma_wait3A_94 : memref<10000x128xf32, #tpu.memory_space<hbm>>) dst(%dma_wait3A_88 : memref<125x128xf32, #tpu.memory_space<vmem>>)
      %mul3A_95 = arith.constant 8 : i32
      %mul3A_96 = arith.muli %rem3A_82, %mul3A_95 : i32
      %add3A_97 = arith.addi %mul3A_96, %rem3A_84 : i32
      "tpu.region"() ({
        %run_scoped3A_138 = tpu.sem_alloc : memref<!tpu.dma_semaphore, #tpu.memory_space<semaphore_mem>>
        %dma_start3A_139 = arith.constant 0 : i32
        %dma_start3A_140 = arith.constant 0 : i32
        %dma_start3A_141 = tpu.memref_slice %arg7[%dma_start3A_139, %dma_start3A_140] : memref<256x128xf32, #tpu.memory_space<vmem>> -> memref<125x128xf32, #tpu.memory_space<vmem>>
        %dma_start3A_142 = arith.constant 0 : i32
        %dma_start3A_143 = tpu.memref_slice %arg6[%add3A_97, %dma_start3A_142] : memref<16x125xi32, #tpu.memory_space<vmem>> -> memref<1x125xi32, #tpu.memory_space<vmem>>
        %dma_start3A_144 = tpu.memref_squeeze %dma_start3A_143 : memref<1x125xi32, #tpu.memory_space<vmem>> -> memref<125xi32, #tpu.memory_space<vmem>>
        %dma_start3A_145 = arith.constant 0 : i32
        %dma_start3A_146 = arith.constant 0 : i32
        %dma_start3A_147 = tpu.memref_slice %arg8[%dma_start3A_145, %dma_start3A_146] : memref<10240x128xf32, #tpu.memory_space<vmem_shared>> -> memref<10240x128xf32, #tpu.memory_space<vmem_shared>>
        tpu.enqueue_indirect_dma source(%dma_start3A_141 : memref<125x128xf32, #tpu.memory_space<vmem>>) target(%dma_start3A_147 : memref<10240x128xf32, #tpu.memory_space<vmem_shared>>) offsets(%dma_start3A_144 : memref<125xi32, #tpu.memory_space<vmem>>) semaphore(%run_scoped3A_138 : memref<!tpu.dma_semaphore, #tpu.memory_space<semaphore_mem>>) {add = true}
        %dma_wait3A_148 = arith.constant 0 : i32
        %dma_wait3A_149 = arith.constant 0 : i32
        %dma_wait3A_150 = tpu.memref_slice %arg7[%dma_wait3A_148, %dma_wait3A_149] : memref<256x128xf32, #tpu.memory_space<vmem>> -> memref<125x128xf32, #tpu.memory_space<vmem>>
        %dma_wait3A_151 = arith.constant 0 : i32
        %dma_wait3A_152 = tpu.memref_slice %arg6[%add3A_97, %dma_wait3A_151] : memref<16x125xi32, #tpu.memory_space<vmem>> -> memref<1x125xi32, #tpu.memory_space<vmem>>
        %dma_wait3A_153 = tpu.memref_squeeze %dma_wait3A_152 : memref<1x125xi32, #tpu.memory_space<vmem>> -> memref<125xi32, #tpu.memory_space<vmem>>
        %dma_wait3A_154 = arith.constant 0 : i32
        %dma_wait3A_155 = arith.constant 0 : i32
        %dma_wait3A_156 = tpu.memref_slice %arg8[%dma_wait3A_154, %dma_wait3A_155] : memref<10240x128xf32, #tpu.memory_space<vmem_shared>> -> memref<10240x128xf32, #tpu.memory_space<vmem_shared>>
        tpu.wait_indirect_dma semaphore(%run_scoped3A_138 : memref<!tpu.dma_semaphore, #tpu.memory_space<semaphore_mem>>) src(%dma_wait3A_150 : memref<125x128xf32, #tpu.memory_space<vmem>>) dst(%dma_wait3A_156 : memref<10240x128xf32, #tpu.memory_space<vmem_shared>>)
        tpu.yield
      }) : () -> ()
      %add3A_98 = arith.constant 2 : i32
      %add3A_99 = arith.addi %mul3A_64, %add3A_98 : i32
      %lt3A = arith.constant 80 : i32
      %lt3A_100 = arith.cmpi slt, %add3A_99, %lt3A : i32
      %convert_element_type3A_101 = arith.extui %lt3A_100 : i1 to i32
      %cond3A_102 = arith.constant 0 : i32
      %cond3A_103 = arith.cmpi ne, %convert_element_type3A_101, %cond3A_102 : i32
      scf.if %cond3A_103 {
        %add3A_138 = arith.constant 2 : i32
        %add3A_139 = arith.addi %mul3A_64, %add3A_138 : i32
        %dma_start3A_140 = arith.constant 0 : i32
        %dma_start3A_141 = arith.constant 0 : i32
        %dma_start3A_142 = tpu.memref_slice %arg7[%dma_start3A_140, %dma_start3A_141] : memref<256x128xf32, #tpu.memory_space<vmem>> -> memref<125x128xf32, #tpu.memory_space<vmem>>
        %dma_start3A_143 = arith.constant 0 : i32
        %dma_start3A_144 = tpu.memref_slice %arg5[%add3A_139, %dma_start3A_143] : memref<80x125xi32, #tpu.memory_space<vmem>> -> memref<1x125xi32, #tpu.memory_space<vmem>>
        %dma_start3A_145 = tpu.memref_squeeze %dma_start3A_144 : memref<1x125xi32, #tpu.memory_space<vmem>> -> memref<125xi32, #tpu.memory_space<vmem>>
        %dma_start3A_146 = arith.constant 0 : i32
        %dma_start3A_147 = arith.constant 0 : i32
        %dma_start3A_148 = tpu.memref_slice %arg2[%dma_start3A_146, %dma_start3A_147] : memref<10000x128xf32, #tpu.memory_space<hbm>> -> memref<10000x128xf32, #tpu.memory_space<hbm>>
        tpu.enqueue_indirect_dma source(%dma_start3A_148 : memref<10000x128xf32, #tpu.memory_space<hbm>>) target(%dma_start3A_142 : memref<125x128xf32, #tpu.memory_space<vmem>>) offsets(%dma_start3A_145 : memref<125xi32, #tpu.memory_space<vmem>>) semaphore(%arg10 : memref<!tpu.dma_semaphore, #tpu.memory_space<semaphore_mem>>)
      } else {
      }
      %add3A_104 = arith.constant 1 : i32
      %add3A_105 = arith.addi %mul3A_64, %add3A_104 : i32
      %add3A_106 = arith.constant 1 : i32
      %add3A_107 = arith.addi %rem3A_84, %add3A_106 : i32
      %dma_wait3A_108 = arith.constant 128 : i32
      %dma_wait3A_109 = arith.constant 0 : i32
      %dma_wait3A_110 = tpu.memref_slice %arg7[%dma_wait3A_108, %dma_wait3A_109] : memref<256x128xf32, #tpu.memory_space<vmem>> -> memref<125x128xf32, #tpu.memory_space<vmem>>
      %dma_wait3A_111 = arith.constant 0 : i32
      %dma_wait3A_112 = tpu.memref_slice %arg5[%add3A_105, %dma_wait3A_111] : memref<80x125xi32, #tpu.memory_space<vmem>> -> memref<1x125xi32, #tpu.memory_space<vmem>>
      %dma_wait3A_113 = tpu.memref_squeeze %dma_wait3A_112 : memref<1x125xi32, #tpu.memory_space<vmem>> -> memref<125xi32, #tpu.memory_space<vmem>>
      %dma_wait3A_114 = arith.constant 0 : i32
      %dma_wait3A_115 = arith.constant 0 : i32
      %dma_wait3A_116 = tpu.memref_slice %arg2[%dma_wait3A_114, %dma_wait3A_115] : memref<10000x128xf32, #tpu.memory_space<hbm>> -> memref<10000x128xf32, #tpu.memory_space<hbm>>
      tpu.wait_indirect_dma semaphore(%arg11 : memref<!tpu.dma_semaphore, #tpu.memory_space<semaphore_mem>>) src(%dma_wait3A_116 : memref<10000x128xf32, #tpu.memory_space<hbm>>) dst(%dma_wait3A_110 : memref<125x128xf32, #tpu.memory_space<vmem>>)
      %mul3A_117 = arith.constant 8 : i32
      %mul3A_118 = arith.muli %rem3A_82, %mul3A_117 : i32
      %add3A_119 = arith.addi %mul3A_118, %add3A_107 : i32
      "tpu.region"() ({
        %run_scoped3A_138 = tpu.sem_alloc : memref<!tpu.dma_semaphore, #tpu.memory_space<semaphore_mem>>
        %dma_start3A_139 = arith.constant 128 : i32
        %dma_start3A_140 = arith.constant 0 : i32
        %dma_start3A_141 = tpu.memref_slice %arg7[%dma_start3A_139, %dma_start3A_140] : memref<256x128xf32, #tpu.memory_space<vmem>> -> memref<125x128xf32, #tpu.memory_space<vmem>>
        %dma_start3A_142 = arith.constant 0 : i32
        %dma_start3A_143 = tpu.memref_slice %arg6[%add3A_119, %dma_start3A_142] : memref<16x125xi32, #tpu.memory_space<vmem>> -> memref<1x125xi32, #tpu.memory_space<vmem>>
        %dma_start3A_144 = tpu.memref_squeeze %dma_start3A_143 : memref<1x125xi32, #tpu.memory_space<vmem>> -> memref<125xi32, #tpu.memory_space<vmem>>
        %dma_start3A_145 = arith.constant 0 : i32
        %dma_start3A_146 = arith.constant 0 : i32
        %dma_start3A_147 = tpu.memref_slice %arg8[%dma_start3A_145, %dma_start3A_146] : memref<10240x128xf32, #tpu.memory_space<vmem_shared>> -> memref<10240x128xf32, #tpu.memory_space<vmem_shared>>
        tpu.enqueue_indirect_dma source(%dma_start3A_141 : memref<125x128xf32, #tpu.memory_space<vmem>>) target(%dma_start3A_147 : memref<10240x128xf32, #tpu.memory_space<vmem_shared>>) offsets(%dma_start3A_144 : memref<125xi32, #tpu.memory_space<vmem>>) semaphore(%run_scoped3A_138 : memref<!tpu.dma_semaphore, #tpu.memory_space<semaphore_mem>>) {add = true}
        %dma_wait3A_148 = arith.constant 128 : i32
        %dma_wait3A_149 = arith.constant 0 : i32
        %dma_wait3A_150 = tpu.memref_slice %arg7[%dma_wait3A_148, %dma_wait3A_149] : memref<256x128xf32, #tpu.memory_space<vmem>> -> memref<125x128xf32, #tpu.memory_space<vmem>>
        %dma_wait3A_151 = arith.constant 0 : i32
        %dma_wait3A_152 = tpu.memref_slice %arg6[%add3A_119, %dma_wait3A_151] : memref<16x125xi32, #tpu.memory_space<vmem>> -> memref<1x125xi32, #tpu.memory_space<vmem>>
        %dma_wait3A_153 = tpu.memref_squeeze %dma_wait3A_152 : memref<1x125xi32, #tpu.memory_space<vmem>> -> memref<125xi32, #tpu.memory_space<vmem>>
        %dma_wait3A_154 = arith.constant 0 : i32
        %dma_wait3A_155 = arith.constant 0 : i32
        %dma_wait3A_156 = tpu.memref_slice %arg8[%dma_wait3A_154, %dma_wait3A_155] : memref<10240x128xf32, #tpu.memory_space<vmem_shared>> -> memref<10240x128xf32, #tpu.memory_space<vmem_shared>>
        tpu.wait_indirect_dma semaphore(%run_scoped3A_138 : memref<!tpu.dma_semaphore, #tpu.memory_space<semaphore_mem>>) src(%dma_wait3A_150 : memref<125x128xf32, #tpu.memory_space<vmem>>) dst(%dma_wait3A_156 : memref<10240x128xf32, #tpu.memory_space<vmem_shared>>)
        tpu.yield
      }) : () -> ()
      %add3A_120 = arith.constant 2 : i32
      %add3A_121 = arith.addi %add3A_105, %add3A_120 : i32
      %lt3A_122 = arith.constant 80 : i32
      %lt3A_123 = arith.cmpi slt, %add3A_121, %lt3A_122 : i32
      %convert_element_type3A_124 = arith.extui %lt3A_123 : i1 to i32
      %cond3A_125 = arith.constant 0 : i32
      %cond3A_126 = arith.cmpi ne, %convert_element_type3A_124, %cond3A_125 : i32
      scf.if %cond3A_126 {
        %add3A_138 = arith.constant 2 : i32
        %add3A_139 = arith.addi %add3A_105, %add3A_138 : i32
        %dma_start3A_140 = arith.constant 128 : i32
        %dma_start3A_141 = arith.constant 0 : i32
        %dma_start3A_142 = tpu.memref_slice %arg7[%dma_start3A_140, %dma_start3A_141] : memref<256x128xf32, #tpu.memory_space<vmem>> -> memref<125x128xf32, #tpu.memory_space<vmem>>
        %dma_start3A_143 = arith.constant 0 : i32
        %dma_start3A_144 = tpu.memref_slice %arg5[%add3A_139, %dma_start3A_143] : memref<80x125xi32, #tpu.memory_space<vmem>> -> memref<1x125xi32, #tpu.memory_space<vmem>>
        %dma_start3A_145 = tpu.memref_squeeze %dma_start3A_144 : memref<1x125xi32, #tpu.memory_space<vmem>> -> memref<125xi32, #tpu.memory_space<vmem>>
        %dma_start3A_146 = arith.constant 0 : i32
        %dma_start3A_147 = arith.constant 0 : i32
        %dma_start3A_148 = tpu.memref_slice %arg2[%dma_start3A_146, %dma_start3A_147] : memref<10000x128xf32, #tpu.memory_space<hbm>> -> memref<10000x128xf32, #tpu.memory_space<hbm>>
        tpu.enqueue_indirect_dma source(%dma_start3A_148 : memref<10000x128xf32, #tpu.memory_space<hbm>>) target(%dma_start3A_142 : memref<125x128xf32, #tpu.memory_space<vmem>>) offsets(%dma_start3A_145 : memref<125xi32, #tpu.memory_space<vmem>>) semaphore(%arg11 : memref<!tpu.dma_semaphore, #tpu.memory_space<semaphore_mem>>)
      } else {
      }
      %eq3A_127 = arith.constant 4 : i32
      %eq3A_128 = arith.cmpi eq, %rem3A_84, %eq3A_127 : i32
      %add3A_129 = arith.constant 1 : i32
      %add3A_130 = arith.addi %select_n3A, %add3A_129 : i32
      %lt3A_131 = arith.constant 10 : i32
      %lt3A_132 = arith.cmpi slt, %add3A_130, %lt3A_131 : i32
      %and3A_133 = arith.andi %eq3A_128, %lt3A_132 : i1
      %convert_element_type3A_134 = arith.extui %and3A_133 : i1 to i32
      %cond3A_135 = arith.constant 0 : i32
      %cond3A_136 = arith.cmpi ne, %convert_element_type3A_134, %cond3A_135 : i32
      scf.if %cond3A_136 {
        %add3A_138 = arith.constant 1 : i32
        %add3A_139 = arith.addi %select_n3A, %add3A_138 : i32
        %mul3A_140 = arith.constant 8 : i32
        %mul3A_141 = arith.muli %add3A_139, %mul3A_140 : i32
        %add3A_142 = arith.constant 1 : i32
        %add3A_143 = arith.addi %select_n3A, %add3A_142 : i32
        %rem3A_144 = arith.constant 2 : i32
        %rem3A_145 = arith.remsi %add3A_143, %rem3A_144 : i32
        %mul3A_146 = arith.constant 8 : i32
        %mul3A_147 = arith.muli %rem3A_145, %mul3A_146 : i32
        %dma_start3A_148 = arith.constant 1 : i32
        %dma_start3A_149 = arith.constant 0 : i32
        %dma_start3A_150 = tpu.memref_slice %arg6[%mul3A_147, %dma_start3A_149] : memref<16x125xi32, #tpu.memory_space<vmem>> -> memref<8x125xi32, #tpu.memory_space<vmem>>
        %dma_start3A_151 = arith.constant 0 : i32
        %dma_start3A_152 = tpu.memref_slice %arg3[%dma_start3A_148, %add3A, %mul3A_141, %dma_start3A_151] : memref<2x32x80x125xi32, #tpu.memory_space<hbm>> -> memref<1x1x8x125xi32, #tpu.memory_space<hbm>>
        %dma_start3A_153 = tpu.memref_squeeze %dma_start3A_152 : memref<1x1x8x125xi32, #tpu.memory_space<hbm>> -> memref<8x125xi32, #tpu.memory_space<hbm>>
        %dma_start3A_154 = arith.constant 0 : i32
        %dma_start3A_155 = tpu.memref_slice %arg6[%mul3A_147, %dma_start3A_154] : memref<16x125xi32, #tpu.memory_space<vmem>> -> memref<8x125xi32, #tpu.memory_space<vmem>>
        %dma_start3A_156 = arith.constant 0 : i32
        %dma_start3A_157 = tpu.memref_slice %arg3[%dma_start3A_148, %add3A, %mul3A_141, %dma_start3A_156] : memref<2x32x80x125xi32, #tpu.memory_space<hbm>> -> memref<1x1x8x125xi32, #tpu.memory_space<hbm>>
        %dma_start3A_158 = tpu.memref_squeeze %dma_start3A_157 : memref<1x1x8x125xi32, #tpu.memory_space<hbm>> -> memref<8x125xi32, #tpu.memory_space<hbm>>
        tpu.enqueue_dma source(%dma_start3A_158 : memref<8x125xi32, #tpu.memory_space<hbm>>) target(%dma_start3A_155 : memref<8x125xi32, #tpu.memory_space<vmem>>) target_semaphore(%arg9 : memref<!tpu.dma_semaphore, #tpu.memory_space<semaphore_mem>>)
      } else {
      }
      %scan3A_137 = arith.constant 0 : i32
      scf.yield %scan3A_137 : i32
    }
    %scan3A_59 = arith.constant 40 : i32
    %barrier3A_60 = arith.constant 0 : index
    tpu.barrier barrier_id(%barrier3A_60)
    "tpu.region"() ({
      %run_scoped3A_61 = tpu.sem_alloc : memref<!tpu.dma_semaphore, #tpu.memory_space<semaphore_mem>>
      %dma_start3A_62 = arith.constant 0 : i32
      %dma_start3A_63 = tpu.memref_slice %arg4[%arg0, %mul3A_22, %dma_start3A_62] : memref<2x10240x128xf32, #tpu.memory_space<hbm>> -> memref<1x640x128xf32, #tpu.memory_space<hbm>>
      %dma_start3A_64 = tpu.memref_squeeze %dma_start3A_63 : memref<1x640x128xf32, #tpu.memory_space<hbm>> -> memref<640x128xf32, #tpu.memory_space<hbm>>
      %dma_start3A_65 = arith.constant 0 : i32
      %dma_start3A_66 = tpu.memref_slice %arg8[%mul3A_22, %dma_start3A_65] : memref<10240x128xf32, #tpu.memory_space<vmem_shared>> -> memref<640x128xf32, #tpu.memory_space<vmem_shared>>
      tpu.enqueue_dma source(%dma_start3A_66 : memref<640x128xf32, #tpu.memory_space<vmem_shared>>) target(%dma_start3A_64 : memref<640x128xf32, #tpu.memory_space<hbm>>) target_semaphore(%run_scoped3A_61 : memref<!tpu.dma_semaphore, #tpu.memory_space<semaphore_mem>>)
      %dma_wait3A = arith.constant 0 : i32
      %dma_wait3A_67 = tpu.memref_slice %arg4[%arg0, %mul3A_22, %dma_wait3A] : memref<2x10240x128xf32, #tpu.memory_space<hbm>> -> memref<1x640x128xf32, #tpu.memory_space<hbm>>
      %dma_wait3A_68 = tpu.memref_squeeze %dma_wait3A_67 : memref<1x640x128xf32, #tpu.memory_space<hbm>> -> memref<640x128xf32, #tpu.memory_space<hbm>>
      %dma_wait3A_69 = arith.constant 0 : i32
      %dma_wait3A_70 = tpu.memref_slice %arg8[%mul3A_22, %dma_wait3A_69] : memref<10240x128xf32, #tpu.memory_space<vmem_shared>> -> memref<640x128xf32, #tpu.memory_space<vmem_shared>>
      tpu.wait_dma2 semaphore(%run_scoped3A_61 : memref<!tpu.dma_semaphore, #tpu.memory_space<semaphore_mem>>) src(%dma_wait3A_70 : memref<640x128xf32, #tpu.memory_space<vmem_shared>>) dst(%dma_wait3A_68 : memref<640x128xf32, #tpu.memory_space<hbm>>)
      tpu.yield
    }) : () -> ()
    return
  }
}

module attributes {stable_mosaic.version = 14 : i64} {
  func.func @_xr_body(%arg0: i32, %arg1: memref<2000x128xf32, #tpu.memory_space<vmem>>, %arg2: memref<128x128xf32, #tpu.memory_space<vmem>>, %arg3: memref<2000x128xf32, #tpu.memory_space<vmem>>) attributes {dimension_semantics = [#tpu.dimension_semantics<arbitrary>], iteration_bounds = array<i64: 5>, scalar_prefetch = 0 : i64, scratch_operands = 0 : i64, tpu.core_type = #tpu.core_type<tc>, window_params = [{transform_indices = @transform_0, window_bounds = array<i64: 2000, 128>}, {pipeline_mode = #tpu.pipeline_mode<synchronous>, transform_indices = @transform_1, window_bounds = array<i64: 128, 128>}, {transform_indices = @transform_2, window_bounds = array<i64: 2000, 128>}]} {
    %get3A = arith.constant 0 : index
    %get3A_0 = arith.constant 0 : index
    %get3A_1 = vector.load %arg1[%get3A, %get3A_0] : memref<2000x128xf32, #tpu.memory_space<vmem>>, vector<2000x128xf32>
    %get3A_2 = arith.constant 0 : index
    %get3A_3 = arith.constant 0 : index
    %get3A_4 = vector.load %arg2[%get3A_2, %get3A_3] : memref<128x128xf32, #tpu.memory_space<vmem>>, vector<128x128xf32>
    %dot_general3A = arith.constant dense<0.000000e+00> : vector<2000x128xf32>
    %dot_general3A_5 = tpu.matmul %get3A_1, %get3A_4, %dot_general3A {dimension_numbers = #tpu.dot_dimension_numbers<[1], [0], [0], [1], [0, 0, 1, 1], [], []>, transpose_lhs_hint = false} : vector<2000x128xf32>, vector<128x128xf32>, vector<2000x128xf32> -> vector<2000x128xf32>
    %swap3A = arith.constant 0 : index
    %swap3A_6 = arith.constant 0 : index
    %swap3A_7 = vector.load %arg3[%swap3A, %swap3A_6] : memref<2000x128xf32, #tpu.memory_space<vmem>>, vector<2000x128xf32>
    tpu.vector_store %arg3[%swap3A, %swap3A_6], %dot_general3A_5 {strides = array<i32>} : memref<2000x128xf32, #tpu.memory_space<vmem>>, vector<2000x128xf32>,
    return
  }
  func.func @transform_0(%arg0: i32) -> (i32, i32) {
    %c0_i32 = arith.constant 0 : i32
    %c0_i32_0 = arith.constant 0 : i32
    return %arg0, %c0_i32 : i32, i32
  }
  func.func @transform_1(%arg0: i32) -> (i32, i32) {
    %c0_i32 = arith.constant 0 : i32
    %c0_i32_0 = arith.constant 0 : i32
    %c0_i32_1 = arith.constant 0 : i32
    return %c0_i32, %c0_i32_0 : i32, i32
  }
  func.func @transform_2(%arg0: i32) -> (i32, i32) {
    %c0_i32 = arith.constant 0 : i32
    %c0_i32_0 = arith.constant 0 : i32
    return %arg0, %c0_i32 : i32, i32
  }
}

module attributes {stable_mosaic.version = 14 : i64} {
  func.func @_dense_body(%arg0: i32, %arg1: memref<2x2000x128xf32, #tpu.memory_space<vmem>>, %arg2: memref<2000x1xf32, #tpu.memory_space<vmem>>, %arg3: memref<2000x128xf32, #tpu.memory_space<vmem>>, %arg4: memref<128x128xf32, #tpu.memory_space<vmem>>, %arg5: memref<1x128xf32, #tpu.memory_space<vmem>>, %arg6: memref<2000x128xf32, #tpu.memory_space<vmem>>) attributes {dimension_semantics = [#tpu.dimension_semantics<arbitrary>], iteration_bounds = array<i64: 5>, scalar_prefetch = 0 : i64, scratch_operands = 0 : i64, tpu.core_type = #tpu.core_type<tc>, window_params = [{transform_indices = @transform_0, window_bounds = array<i64: 2, 2000, 128>}, {transform_indices = @transform_1, window_bounds = array<i64: 2000, 1>}, {transform_indices = @transform_2, window_bounds = array<i64: 2000, 128>}, {pipeline_mode = #tpu.pipeline_mode<synchronous>, transform_indices = @transform_3, window_bounds = array<i64: 128, 128>}, {pipeline_mode = #tpu.pipeline_mode<synchronous>, transform_indices = @transform_4, window_bounds = array<i64: 1, 128>}, {transform_indices = @transform_5, window_bounds = array<i64: 2000, 128>}]} {
    %get3A = arith.constant 0 : index
    %get3A_0 = arith.constant 0 : index
    %get3A_1 = vector.load %arg2[%get3A, %get3A_0] : memref<2000x1xf32, #tpu.memory_space<vmem>>, vector<2000x1xf32>
    %max3A = arith.constant 1.000000e+00 : f32
    %max3A_2 = vector.broadcast %max3A : f32 to vector<2000x1xf32>
    %max3A_3 = arith.maximumf %get3A_1, %max3A_2 : vector<2000x1xf32>
    %get3A_4 = arith.constant 0 : index
    %get3A_5 = arith.constant 0 : index
    %get3A_6 = arith.constant 0 : index
    %get3A_7 = vector.load %arg1[%get3A_4, %get3A_5, %get3A_6] : memref<2x2000x128xf32, #tpu.memory_space<vmem>>, vector<1x2000x128xf32>
    %get3A_8 = vector.shape_cast %get3A_7 : vector<1x2000x128xf32> to vector<2000x128xf32>
    %get3A_9 = arith.constant 1 : index
    %get3A_10 = arith.constant 0 : index
    %get3A_11 = arith.constant 0 : index
    %get3A_12 = vector.load %arg1[%get3A_9, %get3A_10, %get3A_11] : memref<2x2000x128xf32, #tpu.memory_space<vmem>>, vector<1x2000x128xf32>
    %get3A_13 = vector.shape_cast %get3A_12 : vector<1x2000x128xf32> to vector<2000x128xf32>
    %add3A = arith.addf %get3A_8, %get3A_13 : vector<2000x128xf32>
    %div3A = vector.broadcast %max3A_3 : vector<2000x1xf32> to vector<2000x128xf32>
    %div3A_14 = arith.divf %add3A, %div3A : vector<2000x128xf32>
    %get3A_15 = arith.constant 0 : index
    %get3A_16 = arith.constant 0 : index
    %get3A_17 = vector.load %arg4[%get3A_15, %get3A_16] : memref<128x128xf32, #tpu.memory_space<vmem>>, vector<128x128xf32>
    %dot_general3A = arith.constant dense<0.000000e+00> : vector<2000x128xf32>
    %dot_general3A_18 = tpu.matmul %div3A_14, %get3A_17, %dot_general3A {dimension_numbers = #tpu.dot_dimension_numbers<[1], [0], [0], [1], [0, 0, 1, 1], [], []>, transpose_lhs_hint = false} : vector<2000x128xf32>, vector<128x128xf32>, vector<2000x128xf32> -> vector<2000x128xf32>
    %get3A_19 = arith.constant 0 : index
    %get3A_20 = arith.constant 0 : index
    %get3A_21 = vector.load %arg5[%get3A_19, %get3A_20] : memref<1x128xf32, #tpu.memory_space<vmem>>, vector<1x128xf32>
    %add3A_22 = vector.broadcast %get3A_21 : vector<1x128xf32> to vector<2000x128xf32>
    %add3A_23 = arith.addf %dot_general3A_18, %add3A_22 : vector<2000x128xf32>
    %get3A_24 = arith.constant 0 : index
    %get3A_25 = arith.constant 0 : index
    %get3A_26 = vector.load %arg3[%get3A_24, %get3A_25] : memref<2000x128xf32, #tpu.memory_space<vmem>>, vector<2000x128xf32>
    %add3A_27 = arith.addf %add3A_23, %get3A_26 : vector<2000x128xf32>
    %max3A_28 = arith.constant 0.000000e+00 : f32
    %max3A_29 = vector.broadcast %max3A_28 : f32 to vector<2000x128xf32>
    %max3A_30 = arith.maximumf %add3A_27, %max3A_29 : vector<2000x128xf32>
    %swap3A = arith.constant 0 : index
    %swap3A_31 = arith.constant 0 : index
    %swap3A_32 = vector.load %arg6[%swap3A, %swap3A_31] : memref<2000x128xf32, #tpu.memory_space<vmem>>, vector<2000x128xf32>
    tpu.vector_store %arg6[%swap3A, %swap3A_31], %max3A_30 {strides = array<i32>} : memref<2000x128xf32, #tpu.memory_space<vmem>>, vector<2000x128xf32>,
    return
  }
  func.func @transform_0(%arg0: i32) -> (i32, i32, i32) {
    %c0_i32 = arith.constant 0 : i32
    %c0_i32_0 = arith.constant 0 : i32
    %c0_i32_1 = arith.constant 0 : i32
    return %c0_i32, %arg0, %c0_i32_0 : i32, i32, i32
  }
  func.func @transform_1(%arg0: i32) -> (i32, i32) {
    %c0_i32 = arith.constant 0 : i32
    %c0_i32_0 = arith.constant 0 : i32
    return %arg0, %c0_i32 : i32, i32
  }
  func.func @transform_2(%arg0: i32) -> (i32, i32) {
    %c0_i32 = arith.constant 0 : i32
    %c0_i32_0 = arith.constant 0 : i32
    return %arg0, %c0_i32 : i32, i32
  }
  func.func @transform_3(%arg0: i32) -> (i32, i32) {
    %c0_i32 = arith.constant 0 : i32
    %c0_i32_0 = arith.constant 0 : i32
    %c0_i32_1 = arith.constant 0 : i32
    return %c0_i32, %c0_i32_0 : i32, i32
  }
  func.func @transform_4(%arg0: i32) -> (i32, i32) {
    %c0_i32 = arith.constant 0 : i32
    %c0_i32_0 = arith.constant 0 : i32
    %c0_i32_1 = arith.constant 0 : i32
    return %c0_i32, %c0_i32_0 : i32, i32
  }
  func.func @transform_5(%arg0: i32) -> (i32, i32) {
    %c0_i32 = arith.constant 0 : i32
    %c0_i32_0 = arith.constant 0 : i32
    return %arg0, %c0_i32 : i32, i32
  }
}

module attributes {stable_mosaic.version = 14 : i64} {
  func.func @_dense_body(%arg0: i32, %arg1: memref<2x2000x128xf32, #tpu.memory_space<vmem>>, %arg2: memref<2000x1xf32, #tpu.memory_space<vmem>>, %arg3: memref<2000x128xf32, #tpu.memory_space<vmem>>, %arg4: memref<128x128xf32, #tpu.memory_space<vmem>>, %arg5: memref<1x128xf32, #tpu.memory_space<vmem>>, %arg6: memref<2000x128xf32, #tpu.memory_space<vmem>>) attributes {dimension_semantics = [#tpu.dimension_semantics<arbitrary>], iteration_bounds = array<i64: 5>, scalar_prefetch = 0 : i64, scratch_operands = 0 : i64, tpu.core_type = #tpu.core_type<tc>, window_params = [{transform_indices = @transform_0, window_bounds = array<i64: 2, 2000, 128>}, {transform_indices = @transform_1, window_bounds = array<i64: 2000, 1>}, {transform_indices = @transform_2, window_bounds = array<i64: 2000, 128>}, {pipeline_mode = #tpu.pipeline_mode<synchronous>, transform_indices = @transform_3, window_bounds = array<i64: 128, 128>}, {pipeline_mode = #tpu.pipeline_mode<synchronous>, transform_indices = @transform_4, window_bounds = array<i64: 1, 128>}, {transform_indices = @transform_5, window_bounds = array<i64: 2000, 128>}]} {
    %get3A = arith.constant 0 : index
    %get3A_0 = arith.constant 0 : index
    %get3A_1 = vector.load %arg2[%get3A, %get3A_0] : memref<2000x1xf32, #tpu.memory_space<vmem>>, vector<2000x1xf32>
    %max3A = arith.constant 1.000000e+00 : f32
    %max3A_2 = vector.broadcast %max3A : f32 to vector<2000x1xf32>
    %max3A_3 = arith.maximumf %get3A_1, %max3A_2 : vector<2000x1xf32>
    %get3A_4 = arith.constant 0 : index
    %get3A_5 = arith.constant 0 : index
    %get3A_6 = arith.constant 0 : index
    %get3A_7 = vector.load %arg1[%get3A_4, %get3A_5, %get3A_6] : memref<2x2000x128xf32, #tpu.memory_space<vmem>>, vector<1x2000x128xf32>
    %get3A_8 = vector.shape_cast %get3A_7 : vector<1x2000x128xf32> to vector<2000x128xf32>
    %get3A_9 = arith.constant 1 : index
    %get3A_10 = arith.constant 0 : index
    %get3A_11 = arith.constant 0 : index
    %get3A_12 = vector.load %arg1[%get3A_9, %get3A_10, %get3A_11] : memref<2x2000x128xf32, #tpu.memory_space<vmem>>, vector<1x2000x128xf32>
    %get3A_13 = vector.shape_cast %get3A_12 : vector<1x2000x128xf32> to vector<2000x128xf32>
    %add3A = arith.addf %get3A_8, %get3A_13 : vector<2000x128xf32>
    %div3A = vector.broadcast %max3A_3 : vector<2000x1xf32> to vector<2000x128xf32>
    %div3A_14 = arith.divf %add3A, %div3A : vector<2000x128xf32>
    %get3A_15 = arith.constant 0 : index
    %get3A_16 = arith.constant 0 : index
    %get3A_17 = vector.load %arg4[%get3A_15, %get3A_16] : memref<128x128xf32, #tpu.memory_space<vmem>>, vector<128x128xf32>
    %dot_general3A = arith.constant dense<0.000000e+00> : vector<2000x128xf32>
    %dot_general3A_18 = tpu.matmul %div3A_14, %get3A_17, %dot_general3A {dimension_numbers = #tpu.dot_dimension_numbers<[1], [0], [0], [1], [0, 0, 1, 1], [], []>, transpose_lhs_hint = false} : vector<2000x128xf32>, vector<128x128xf32>, vector<2000x128xf32> -> vector<2000x128xf32>
    %get3A_19 = arith.constant 0 : index
    %get3A_20 = arith.constant 0 : index
    %get3A_21 = vector.load %arg5[%get3A_19, %get3A_20] : memref<1x128xf32, #tpu.memory_space<vmem>>, vector<1x128xf32>
    %add3A_22 = vector.broadcast %get3A_21 : vector<1x128xf32> to vector<2000x128xf32>
    %add3A_23 = arith.addf %dot_general3A_18, %add3A_22 : vector<2000x128xf32>
    %get3A_24 = arith.constant 0 : index
    %get3A_25 = arith.constant 0 : index
    %get3A_26 = vector.load %arg3[%get3A_24, %get3A_25] : memref<2000x128xf32, #tpu.memory_space<vmem>>, vector<2000x128xf32>
    %add3A_27 = arith.addf %add3A_23, %get3A_26 : vector<2000x128xf32>
    %swap3A = arith.constant 0 : index
    %swap3A_28 = arith.constant 0 : index
    %swap3A_29 = vector.load %arg6[%swap3A, %swap3A_28] : memref<2000x128xf32, #tpu.memory_space<vmem>>, vector<2000x128xf32>
    tpu.vector_store %arg6[%swap3A, %swap3A_28], %add3A_27 {strides = array<i32>} : memref<2000x128xf32, #tpu.memory_space<vmem>>, vector<2000x128xf32>,
    return
  }
  func.func @transform_0(%arg0: i32) -> (i32, i32, i32) {
    %c0_i32 = arith.constant 0 : i32
    %c0_i32_0 = arith.constant 0 : i32
    %c0_i32_1 = arith.constant 0 : i32
    return %c0_i32, %arg0, %c0_i32_0 : i32, i32, i32
  }
  func.func @transform_1(%arg0: i32) -> (i32, i32) {
    %c0_i32 = arith.constant 0 : i32
    %c0_i32_0 = arith.constant 0 : i32
    return %arg0, %c0_i32 : i32, i32
  }
  func.func @transform_2(%arg0: i32) -> (i32, i32) {
    %c0_i32 = arith.constant 0 : i32
    %c0_i32_0 = arith.constant 0 : i32
    return %arg0, %c0_i32 : i32, i32
  }
  func.func @transform_3(%arg0: i32) -> (i32, i32) {
    %c0_i32 = arith.constant 0 : i32
    %c0_i32_0 = arith.constant 0 : i32
    %c0_i32_1 = arith.constant 0 : i32
    return %c0_i32, %c0_i32_0 : i32, i32
  }
  func.func @transform_4(%arg0: i32) -> (i32, i32) {
    %c0_i32 = arith.constant 0 : i32
    %c0_i32_0 = arith.constant 0 : i32
    %c0_i32_1 = arith.constant 0 : i32
    return %c0_i32, %c0_i32_0 : i32, i32
  }
  func.func @transform_5(%arg0: i32) -> (i32, i32) {
    %c0_i32 = arith.constant 0 : i32
    %c0_i32_0 = arith.constant 0 : i32
    return %arg0, %c0_i32 : i32, i32
  }
}

</mosaic_0001>

<sc_bundles>
// kernel: kernel.11.cloned.1.call-start
scs
__scs_entry_jumppad:
0x0: {  	(pc) =	sbr.rel $0x88, $3  }
0x1: {  	(tag) =	ssettag $0x0;
	lr =	simm.s32 $0x1  }
0x2: {  	[smem:$0x3F99] =	sst lr;
	_ =	strace $0xD0000000  }
0x3: {  	_ = 	snop  }
0x4: {  	_ = 	snop  }
0x5: {  	_ = 	snop  }
0x6: {  	_ = 	snop  }
0x7: {  	_ = 	snop  }
__scs_overlays_trampoline_lowered:
0x8: {  	[smem:$0x3FA8] =	sst s0  }
0x9: {  	[smem:$0x3FA9] =	sst s1  }
0xa: {  	[smem:$0x3FAA] =	sst s2  }
0xb: {  	[smem:$0x3FAB] =	sst s3  }
0xc: {  	[smem:$0x3FAC] =	sst s4  }
0xd: {  	[smem:$0x3FAD] =	sst s5  }
0xe: {  	[smem:$0x3FAE] =	sst s6  }
0xf: {  	[smem:$0x3FAF] =	sst s7  }
0x10: {  	[smem:$0x3FB0] =	sst s8  }
0x11: {  	[smem:$0x3FB1] =	sst s9;
	s0 =	simm.s32 @!p0 $0x0  }
0x12: {  	s1 =	sld [smem:$0x3F97];
	s0 =	simm.s32 @p0 $0x1  }
0x13: {  	[smem:$0x3FB2] =	sst s0;
	s0 =	simm.s32 @!p1 $0x0  }
0x14: {  	s2 =	sld [smem:$0x3F96];
	s0 =	simm.s32 @p1 $0x1  }
0x15: {  	[smem:$0x3FB3] =	sst s0;
	s0 =	simm.s32 @!p2 $0x0  }
0x16: {  	s3 =	sld [smem:$0x3FDB];
	s0 =	simm.s32 @p2 $0x1  }
0x17: {  	s4 =	simm.s32 $0x1BF5;
	[smem:$0x3FB5] =	sst s0  }
0x18: {  	s0 =	sld [smem:$0x3F98];
	_ =	swait.ge [sflag:s4], $0x0  }
0x19: {  	s7 =	sld [smem:$0x3F99]  }
0x1a: {  	s8 =	sadd.s32 $0xFFFFE003, lr  }
0x1b: {  	s9 =	sadd.s32 $0xFFFFFEF7, lr;
	s5 =	simm.s32 $0xFFFFFFFF;
	p2 =	slt.u32 s8, $0xFFFFF086  }
0x1c: {  	p1 =	slt.u32 s9, $0xF7A;
	s5 =	simm.s32 @!p2 $0x0  }
0x1d: {  	s5 =	simm.s32 @p1 $0x1;
	p0 =	seq.s32 s7, s2  }
0x1e: {  	s7 =	smul.u32 @!p0 $0xF7A, s2;
	p2 =	seq.s32 @!p0 s5, $0x0  }
0x1f: {  	s9 =	smul.u32 $0xF7A, s1;
	s8 =	simm.s32 @!p0 $0x1BF5;
	p2 =	por !p2, p0  }
0x20: {  	[sflag:s8] =	ssyncset.s32 @!p0 $0xFFFFF086;
	s6 =	sadd.s32 @!p0 s3, s7;
	s7 =	simm.s32 @!p0 $0x108  }
0x21: {  	s3 =	sadd.s32 s3, s9;
	s6 =	sadd.s32 @!p0 $0x88, s6;
	s7 =	simm.s32 @p2 $0x1082  }
0x22: {  	[simem:s7], [sflag:s8] =	dma.local @!p0 [hbm:s6], $0xF7A  }
0x23: {  	s9 =	sor.u32 $0xD0000000, s2;
	s6 =	simm.s32 $0x108;
	_ =	swait.ge @!p0 [sflag:s8], $0x0  }
0x24: {  	s3 =	sadd.s32 $0x88, s3;
	s6 =	simm.s32 @!p1 $0x1082;
	[sflag:s4] =	ssyncset.s32 $0xFFFFF086  }
0x25: {  	[simem:s6], [sflag:s4] =	dma.local [hbm:s3], $0xF7A  }
0x26: {  	[smem:$0x3F99] =	sst s1;
	(tag) =	ssettag s2;
	_ =	strace s9  }
0x27: {  	s1 =	sld [smem:$0x3FA9]  }
0x28: {  	s2 =	sld [smem:$0x3FAA]  }
0x29: {  	s4 =	sld [smem:$0x3FAC]  }
0x2a: {  	p0 =	seq.s32 s5, $0x0;
	s5 =	sld [smem:$0x3FAD]  }
0x2b: {  	s6 =	sld [smem:$0x3FAE]  }
0x2c: {  	s7 =	sld [smem:$0x3FAF]  }
0x2d: {  	s3 =	simm.s32 $0x108;
	s8 =	sld [smem:$0x3FB0]  }
0x2e: {  	s3 =	simm.s32 @!p0 $0x1082;
	s9 =	sld [smem:$0x3FB1]  }
0x2f: {  	lr =	sadd.s32 s0, s3;
	s0 =	sld [smem:$0x3FA8]  }
0x30: {  	s3 =	sld [smem:$0x3FAB]  }
0x31: {  	[smem:$0x3FB4] =	sst s10  }
0x32: {  	s10 =	sld [smem:$0x3FB2];
	_ =	sdelay $0x3  }
0x33: {  	p0 =	seq.s32 s10, $0x1;
	s10 =	sld [smem:$0x3FB4];
	_ =	sdelay $0x3  }
0x34: {  	[smem:$0x3FB4] =	sst s10  }
0x35: {  	s10 =	sld [smem:$0x3FB3];
	_ =	sdelay $0x3  }
0x36: {  	p1 =	seq.s32 s10, $0x1;
	s10 =	sld [smem:$0x3FB4];
	_ =	sdelay $0x3  }
0x37: {  	[smem:$0x3FB4] =	sst s10  }
0x38: {  	s10 =	sld [smem:$0x3FB5]  }
0x39: {  	_ = 	snop;
	(pc) =	sbr.ind lr, $3  }
0x3a: {  	_ = 	snop  }
0x3b: {  	_ = 	snop  }
0x3c: {  	p2 =	seq.s32 s10, $0x1;
	s10 =	sld [smem:$0x3FB4]  }
0x3d: {  	_ =	shalt  }
0x3e: {  	_ =	shalt  }
0x3f: {  	_ =	shalt  }
0x40: {  	_ =	shalt  }
0x41: {  	_ =	shalt  }
0x42: {  	_ =	shalt  }
0x43: {  	_ =	shalt  }
0x44: {  	_ =	shalt  }
0x45: {  	_ =	shalt  }
0x46: {  	_ =	shalt  }
0x47: {  	_ =	shalt  }
0x48: {  	_ =	shalt  }
0x49: {  	_ =	shalt  }
0x4a: {  	_ =	shalt  }
0x4b: {  	_ =	shalt  }
0x4c: {  	_ =	shalt  }
0x4d: {  	_ =	shalt  }
0x4e: {  	_ =	shalt  }
0x4f: {  	_ =	shalt  }
0x50: {  	_ =	shalt  }
0x51: {  	_ =	shalt  }
0x52: {  	_ =	shalt  }
0x53: {  	_ =	shalt  }
0x54: {  	_ =	shalt  }
0x55: {  	_ =	shalt  }
0x56: {  	_ =	shalt  }
0x57: {  	_ =	shalt  }
0x58: {  	_ =	shalt  }
0x59: {  	_ =	shalt  }
0x5a: {  	_ =	shalt  }
0x5b: {  	_ =	shalt  }
0x5c: {  	_ =	shalt  }
0x5d: {  	_ =	shalt  }
0x5e: {  	_ =	shalt  }
0x5f: {  	_ =	shalt  }
0x60: {  	_ =	shalt  }
0x61: {  	_ =	shalt  }
0x62: {  	_ =	shalt  }
0x63: {  	_ =	shalt  }
0x64: {  	_ =	shalt  }
0x65: {  	_ =	shalt  }
0x66: {  	_ =	shalt  }
0x67: {  	_ =	shalt  }
0x68: {  	_ =	shalt  }
0x69: {  	_ =	shalt  }
0x6a: {  	_ =	shalt  }
0x6b: {  	_ =	shalt  }
0x6c: {  	_ =	shalt  }
0x6d: {  	_ =	shalt  }
0x6e: {  	_ =	shalt  }
0x6f: {  	_ =	shalt  }
0x70: {  	_ =	shalt  }
0x71: {  	_ =	shalt  }
0x72: {  	_ =	shalt  }
0x73: {  	_ =	shalt  }
0x74: {  	_ =	shalt  }
0x75: {  	_ =	shalt  }
0x76: {  	_ =	shalt  }
0x77: {  	_ =	shalt  }
0x78: {  	_ =	shalt  }
0x79: {  	_ =	shalt  }
0x7a: {  	_ =	shalt  }
0x7b: {  	_ =	shalt  }
0x7c: {  	_ =	shalt  }
0x7d: {  	_ =	shalt  }
0x7e: {  	_ =	shalt  }
0x7f: {  	_ =	shalt  }
0x80: {  	_ =	shalt  }
0x81: {  	_ =	shalt  }
0x82: {  	_ =	shalt  }
0x83: {  	_ =	shalt  }
0x84: {  	_ =	shalt  }
0x85: {  	_ =	shalt  }
0x86: {  	_ =	shalt  }
0x87: {  	_ =	shalt  }
.Lfunc_end0:
.L_simem_size_0:
called_computation.1_lowered:
.L_overlay_start_0:
0x88: {  	s2 =	sld [smem:$0x3FD9]  }
0x89: {  	s3 =	sld [smem:$0x3FFE];
	_ =	sdelay $0x1  }
0x8a: {  	s1 =	srdreg.scid  }
0x8b: {  	s0 =	sand.u32 $0x1, s1  }
0x8c: {  	s17 =	sshll.u32 s0, $0xA;
	s2 =	sadd.s32 s3, s2  }
0x8d: {  	s2 =	sadd.s32 s2, s17  }
0x8e: {  	[smem:$0x3FC0] =	sst s2  }
0x8f: {  	_ = 	snop  }
0x90: {  	s2 =	sld [smem:$0x3FD0];
	(tm) =	ssettm $0x1  }
0x91: {  	s18 =	sld [smem:$0x3FFB];
	_ =	sdelay $0x3  }
0x92: {  	_ =	strace s18  }
0x93: {  	s3 =	sld [smem:$0x3FFC];
	_ =	sdelay $0x3  }
0x94: {  	_ =	strace s3  }
0x95: {  	s3 =	sld [smem:$0x3FFD];
	_ =	sdelay $0x3  }
0x96: {  	_ =	strace s3  }
0x97: {  	_ =	strace $0x8FFFFFFF  }
0x98: {  	s19 =	sld [smem:$0x3FDB];
	_ =	sdelay $0x1  }
0x99: {  	s4 =	simm.s32 $_scs_section_size  }
0x9a: {  	s5 =	simm.s32 $_size__tile_overlayer_lowered;
	s6 =	simm.s32 $_tile_overlayer_lowered  }
0x9b: {  	s22 =	simm.s32 $0x1BFF;
	s21 =	sshll.u32 s6, $0x1;
	s3 =	sadd.s32 s4, s19  }
0x9c: {  	s7 =	simm.s32 $0x0;
	s20 =	sshll.u32 s5, $0x1;
	s5 =	sadd.s32 s21, s3  }
0x9d: {  	[timem:s7], [sflag:s22] =	dma.local [hbm:s5], s20  }
0x9e: {  	_ =	swait.ge [sflag:s22], s20  }
0x9f: {  	s4 =	ssub.s32 $0x0, s20;
	[sflag:s22] =	ssyncset.done $0x0  }
0xa0: {  	[sflag:s22] =	ssyncadd.s32 s4;
	_ =	sdelay $0x1  }
0xa1: {  	s23 =	simm.s32 $0x1B8B  }
0xa2: {  	_ =	swait.ge [sflag:s23], $0x1  }
0xa3: {  	[sflag:s23] =	ssyncset.done $0x0  }
0xa4: {  	s25 =	simm.s32 $0x1B8E;
	s24 =	sld [smem:$0x3FFE];
	[sflag:s23] =	ssyncadd.s32 $0xFFFFFFFF  }
0xa5: {  	s26 =	simm.s32 $execute0_lowered;
	[smem:$0x3FD2] =	sst s25  }
0xa6: {  	s5 =	sshll.u32 s26, $0x1;
	_ =	strace $0x80000049;
	[dreg:$0x1] =	wrdreg $0xFFFFFFFF  }
0xa7: {  	s28 =	simm.s32 $_size_execute0_lowered;
	s3 =	sadd.s32 s3, s5;
	[dreg:$0x0] =	wrdreg $0x0  }
0xa8: {  	s5 =	sshll.u32 s28, $0x1;
	[dreg:$0x2] =	wrdreg s3  }
0xa9: {  	[dreg:$0x3] =	wrdreg s5  }
0xaa: {  	[dreg:$0x4] =	wrdreg $0xC0  }
0xab: {  	_ =	task [dreg:s7], $0x5FFFF  }
0xac: {  	[dreg:$0x1] =	wrdreg $0xFFFFFFFF  }
0xad: {  	[dreg:$0x0] =	wrdreg $0x60  }
0xae: {  	[dreg:$0x2] =	wrdreg s2  }
0xaf: {  	[dreg:$0x3] =	wrdreg s24  }
0xb0: {  	[dreg:$0x4] =	wrdreg $0xB0000  }
0xb1: {  	[dreg:$0x5] =	wrdreg $0x9  }
0xb2: {  	_ =	task.clear_ibuf [dreg:s7], $0x6FFFF;
	_ =	strace $0x90000049  }
0xb3: {  	s29 =	simm.s32 $0x9;
	_ =	strace $0x8000004B  }
0xb4: {  	_ =	swait.ge [sflag:s29], $0x1  }
0xb5: {  	[sflag:s29] =	ssyncadd.s32 $0xFFFFFFFF  }
0xb6: {  	_ =	strace $0x9000004B  }
0xb7: {  	_ =	sfence  }
0xb8: {  	s30 =	sld [smem:$0x0];
	_ =	sdelay $0x2  }
0xb9: {  	s31 =	sshll.u32 s1, $0xD;
	s1 =	sshrl.u32 s1, $0x2  }
0xba: {  	s3 =	sand.u32 $0x4000, s31;
	s1 =	sadd.s32 s1, s30  }
0xbb: {  	s0 =	sor.u32 s3, s0;
	s1 =	sshll.u32 s1, $0x11  }
0xbc: {  	s0 =	sor.u32 s1, s0  }
0xbd: {  	s0 =	sadd.s32 $0x8F2B, s0  }
0xbe: {  	[sflag:s0] =	ssyncadd.remote.s32 $0x1  }
0xbf: {  	_ =	sfence.sel $0xFFFF  }
0xc0: {  	[dreg:$0x0] =	wrdreg $0xFFFFFFFF;
	(pc) =	sbr.abs _section_cstart, $3  }
0xc1: {  	[dreg:$0x1] =	wrdreg $0xFFFFFFFF  }
0xc2: {  	_ =	task.clear_ibuf [dreg:s7], $0x2FFFF;
	_ =	strace $0x9FFFFFFF  }
0xc3: {  	(tm) =	ssettm $0x7FFFFFFF  }
tec
execute0_lowered:
.L_overlay_start_1:
0x0: {  	(tag) =	ssettag $0x1  }
0x1: {  	s1 =	rddreg [dreg:$0x0]  }
0x2: {  	s0 =	rddreg [dreg:$0x1]  }
0x3: {  	s2 =	rddreg [dreg:$0x2]  }
0x4: {  	s3 =	srdreg.scid;
	s6 =	simm.s32 $0x0;
	s4 =	stileid.u32  }
0x5: {  	s16 =	simm.s32 $0x4;
	s18 =	simm.s32 $0x3000;
	s19 =	simm.s32 $0x7D  }
0x6: {  	s21 =	simm.s32 $0x7000;
	s22 =	simm.s32 $0x2;
	s25 =	smul.u32 $0x14000, s4  }
0x7: {  	s23 =	simm.s32 $0x3;
	s3 =	sand.u32 $0x1, s3;
	s9 =	smul.u32 $0x50000, s4  }
0x8: {  	[smem:$0x7FF] =	sst s6;
	s5 =	smul.u32 $0x140000, s3;
	s7 =	sshll.u32 s3, $0x4  }
0x9: {  	_ =	strace $0x8000004A;
	s3 =	ssub.s32 $0x2, s3;
	s7 =	sor.u32 s4, s7  }
0xa: {  	s8 =	sshrl.u32 s3, $0x1;
	s30 =	sshrl.u32 s9, $0x2;
	s5 =	sadd.s32 s25, s5  }
0xb: {  	s26 =	smul.u32 $0x2800, s7;
	s3 =	ssub.s32 s3, s8;
	s8 =	sadd.s32 s30, s2  }
0xc: {  	s28 =	sshrl.u32 s5, $0x3;
	s5 =	sadd.s32 $0x2600, s0;
	s10 =	sadd.s32 $0x4000, s8  }
0xd: {  	s11 =	sadd.s32 $0x8000, s8;
	s12 =	sadd.s32 $0xC000, s8;
	s13 =	sadd.s32 $0x10000, s8  }
0xe: {  	s15 =	smax.u32 s3, $0x1;
	s0 =	sadd.s32 s28, s0;
	s6 =	sadd.s32 $0x50000, s26  }
0xf: {  	s29 =	sshrl.u32 s26, $0x3;
	s26 =	simm.s32 $0x0;
	s31 =	sshrl.u32 s6, $0x3  }
0x10: {  	v0 =	vimm.f32 $0.0e+00;
	s7 =	sadd.s32 s5, s29;
	s14 =	sadd.s32 $0x16600, s0;
	s9 =	sadd.s32 s5, s31  }
.LBB2_1:
0x11: {  	s0 =	simm.s32 $0x0  }
0x12: {  	[tilespmem:s0], [sflag:$0x4] =	stream.linear.gather [hbm4b:s7+s0], $0x2800, $0x38;
	[tilespmem:$0x1F000] =	vst v63  }
0x13: {  	_ =	swait.ge [sflag:s16], $0x2800  }
0x14: {  	[sflag:s16] =	ssyncset.done $0x0  }
0x15: {  	s3 =	simm.s32 $0x2800;
	[sflag:s16] =	ssyncadd.s32 $0xFFFFD800  }
0x16: {  	[tilespmem:s3], [sflag:$0x1] =	stream.linear.gather [hbm4b:s9+s0], $0x400, $0x38;
	[tilespmem:$0x1F000] =	vst v63  }
0x17: {  	s0 =	simm.s32 $0x0;
	s3 =	simm.s32 $0x200  }
.LBB2_2:
0x18: {  	p0 =	sne.s32 s3, $0xFE00;
	[tilespmem:s0+$0x3070] =	vst v0  }
0x19: {  	[tilespmem:s0+$0x3000] =	vst v0  }
0x1a: {  	[tilespmem:s0+$0x3010] =	vst v0  }
.Ltmp0:
0x1b: {  	[tilespmem:s0+$0x3020] =	vst v0;
	(pc) =	sbr.rel @p0 .LBB2_2-.Ltmp0, $4  }
0x1c: {  	[tilespmem:s0+$0x3030] =	vst v0  }
0x1d: {  	[tilespmem:s0+$0x3040] =	vst v0  }
0x1e: {  	[tilespmem:s0+$0x3050] =	vst v0  }
0x1f: {  	[tilespmem:s0+$0x3060] =	vst v0;
	s0 =	sshra.s32 s3, $0x2;
	s3 =	sadd.s32 $0x200, s3  }
0x20: {  	[tilespmem:s0+$0x3070] =	vst v0  }
0x21: {  	[tilespmem:s0+$0x3000] =	vst v0  }
0x22: {  	[tilespmem:s0+$0x3010] =	vst v0  }
0x23: {  	[tilespmem:s0+$0x3020] =	vst v0  }
0x24: {  	[tilespmem:s0+$0x3030] =	vst v0  }
0x25: {  	[tilespmem:s0+$0x3040] =	vst v0  }
0x26: {  	[tilespmem:s0+$0x3050] =	vst v0  }
0x27: {  	[tilespmem:s0+$0x3060] =	vst v0  }
0x28: {  	[spmem:s8] =	stream.linear.scatter [tilespmem:s18], [sflag:$0x4], $0x4000, $0x38;
	[tilespmem:$0x1F000] =	vst v63  }
0x29: {  	_ =	swait.ge [sflag:s16], $0x4000  }
0x2a: {  	[sflag:s16] =	ssyncset.done $0x0  }
0x2b: {  	[sflag:s16] =	ssyncadd.s32 $0xFFFFC000  }
0x2c: {  	[spmem:s10] =	stream.linear.scatter [tilespmem:s18], [sflag:$0x4], $0x4000, $0x38;
	[tilespmem:$0x1F000] =	vst v63  }
0x2d: {  	_ =	swait.ge [sflag:s16], $0x4000  }
0x2e: {  	[sflag:s16] =	ssyncset.done $0x0  }
0x2f: {  	[sflag:s16] =	ssyncadd.s32 $0xFFFFC000  }
0x30: {  	[spmem:s11] =	stream.linear.scatter [tilespmem:s18], [sflag:$0x4], $0x4000, $0x38;
	[tilespmem:$0x1F000] =	vst v63  }
0x31: {  	_ =	swait.ge [sflag:s16], $0x4000  }
0x32: {  	[sflag:s16] =	ssyncset.done $0x0  }
0x33: {  	[sflag:s16] =	ssyncadd.s32 $0xFFFFC000  }
0x34: {  	[spmem:s12] =	stream.linear.scatter [tilespmem:s18], [sflag:$0x4], $0x4000, $0x38;
	[tilespmem:$0x1F000] =	vst v63  }
0x35: {  	_ =	swait.ge [sflag:s16], $0x4000  }
0x36: {  	[sflag:s16] =	ssyncset.done $0x0  }
0x37: {  	[sflag:s16] =	ssyncadd.s32 $0xFFFFC000  }
0x38: {  	[spmem:s13] =	stream.linear.scatter [tilespmem:s18], [sflag:$0x4], $0x4000, $0x38;
	[tilespmem:$0x1F000] =	vst v63  }
0x39: {  	_ =	swait.ge [sflag:s16], $0x4000  }
0x3a: {  	s4 =	simm.s32 $0x0;
	[sflag:s16] =	ssyncset.done $0x0  }
0x3b: {  	s0 =	sand.u32 $0x6, s4;
	[sflag:s16] =	ssyncadd.s32 $0xFFFFC000  }
0x3c: {  	[tilespmem:s18], [sflag:$0x2] =	stream.indirect.gather [hbm4b:s1+s19], $0x80, s4, s19, $0xb8;
	[tilespmem:$0x1F000] =	vst v63  }
0x3d: {  	s3 =	simm.s32 $0x80;
	p0 =	sne.s32 s0, $0x0  }
0x3e: {  	[tilespmem:s21], [sflag:$0x3] =	stream.indirect.gather [hbm4b:s1+s19], $0x80, s3, s19, $0xb8;
	[tilespmem:$0x1F000] =	vst v63  }
0x3f: {  	s3 =	simm.s32 @!p0 $0x1;
	[bflag:$0x0] =	sbarrier.arrive $0xFFFF  }
0x40: {  	_ =	swait.ge @!p0 [sflag:s3], $0x400  }
0x41: {  	s17 =	simm.s32 $0x0;
	[sflag:s3] =	ssyncset.done @!p0 $0x0  }
0x42: {  	s17 =	sand.u32 $0x8, s17;
	[sflag:s3] =	ssyncadd.s32 @!p0 $0xFFFFFC00  }
0x43: {  	s3 =	sor.u32 s0, s17;
	_ =	swait.ge [sflag:s22], $0x3E80  }
0x44: {  	s3 =	sshll.u32 s3, $0x7;
	[sflag:s22] =	ssyncset.done $0x0  }
0x45: {  	s20 =	sor.u32 $0x2800, s3;
	[sflag:s22] =	ssyncadd.s32 $0xFFFFC180  }
0x46: {  	[spmem:s2] =	stream.indirect.scatter.add.f32 [tilespmem:s18], [sflag:$0x4], $0x80, s20, s19, $0xb8;
	[tilespmem:$0x1F000] =	vst v63  }
0x47: {  	s24 =	simm.s32 $0x180;
	p6 =	por $0x0, $0x0;
	_ =	swait.ge [sflag:s16], $0x3E80  }
0x48: {  	s31 =	simm.s32 $0x1;
	p1 =	por $0x0, $0x0;
	[sflag:s16] =	ssyncset.done $0x0  }
0x49: {  	s29 =	simm.s32 $0x2;
	s20 =	simm.s32 $0x100;
	[sflag:s16] =	ssyncadd.s32 $0xFFFFC180  }
0x4a: {  	[tilespmem:s18], [sflag:$0x2] =	stream.indirect.gather [hbm4b:s1+s19], $0x80, s20, s19, $0xb8;
	[tilespmem:$0x1F000] =	vst v63  }
0x4b: {  	s30 =	simm.s32 $0x2;
	s28 =	simm.s32 $0x280;
	_ =	swait.ge [sflag:s23], $0x3E80  }
0x4c: {  	p1 =	por p1, p1;
	p0 =	por p6, p6;
	[sflag:s23] =	ssyncset.done $0x0  }
0x4d: {  	p2 =	sne.s32 @!p0 s0, $0x4;
	s25 =	sor.u32 $0x2880, s3;
	[sflag:s23] =	ssyncadd.s32 $0xFFFFC180  }
0x4e: {  	[spmem:s2] =	stream.indirect.scatter.add.f32 [tilespmem:s21], [sflag:$0x4], $0x80, s25, s19, $0xb8;
	[tilespmem:$0x1F000] =	vst v63  }
0x4f: {  	s17 =	sand.u32 $0x6, s30;
	p0 =	por p2, p0;
	_ =	swait.ge [sflag:s16], $0x3E80  }
0x50: {  	s0 =	simm.s32 @!p0 $0x400;
	s3 =	sadd.s32 @!p0 $0x400, s6;
	[sflag:s16] =	ssyncset.done $0x0  }
0x51: {  	s0 =	sand.u32 @!p0 $0x400, s0;
	s20 =	sshrl.u32 @!p0 s3, $0x3;
	[sflag:s16] =	ssyncadd.s32 $0xFFFFC180  }
0x52: {  	[tilespmem:s21], [sflag:$0x3] =	stream.indirect.gather [hbm4b:s1+s19], $0x80, s24, s19, $0xb8;
	[tilespmem:$0x1F000] =	vst v63  }
0x53: {  	s3 =	sor.u32 @!p0 $0x2800, s0;
	s20 =	sadd.s32 @!p0 s5, s20;
	s24 =	simm.s32 @!p0 $0x0  }
.LBB2_4:
0x54: {  	p3 =	sgt.u32 s29, $0x23;
	p4 =	sne.s32 s17, $0x0  }
0x55: {  	s25 =	smov.u32 s29;
	s29 =	sadd.s32 $0x1, s29;
	s0 =	smov.u32 s28  }
0x56: {  	p5 =	sne.s32 @!p1 s17, $0x4;
	p2 =	sne.s32 s29, $0x27;
	s4 =	simm.s32 @!p4 $0x1  }
0x57: {  	[tilespmem:s3], [sflag:$0x1] =	stream.linear.gather @!p0 [hbm4b:s20+s24], $0x400, $0x38;
	[tilespmem:$0x1F000] =	vst v63  }
0x58: {  	s3 =	sshrl.u32 s31, $0x2;
	p0 =	por p5, p1;
	_ =	swait.ge @!p4 [sflag:s4], $0x400  }
0x59: {  	s20 =	sshll.u32 s3, $0x3;
	s3 =	sshll.u32 @!p0 s3, $0xA;
	[sflag:s4] =	ssyncset.done @!p4 $0x0  }
0x5a: {  	s3 =	sadd.s32 @!p0 $0x400, s3;
	[sflag:s4] =	ssyncadd.s32 @!p4 $0xFFFFFC00;
	s4 =	sand.u32 $0x8, s20  }
0x5b: {  	_ =	swait.ge [sflag:s22], $0x3E80;
	s4 =	sor.u32 s17, s4;
	s17 =	sadd.s32 @!p0 s3, s6  }
0x5c: {  	s3 =	sand.u32 @!p0 $0x400, s3;
	[sflag:s22] =	ssyncset.done $0x0;
	s4 =	sshll.u32 s4, $0x7  }
0x5d: {  	s17 =	sshrl.u32 @!p0 s17, $0x3;
	[sflag:s22] =	ssyncadd.s32 $0xFFFFC180;
	s20 =	sor.u32 $0x2800, s4  }
0x5e: {  	[spmem:s2] =	stream.indirect.scatter.add.f32 [tilespmem:s18], [sflag:$0x4], $0x80, s20, s19, $0xb8;
	[tilespmem:$0x1F000] =	vst v63  }
0x5f: {  	s3 =	sor.u32 @!p0 $0x2800, s3;
	s20 =	sadd.s32 @!p0 s5, s17;
	_ =	swait.ge [sflag:s16], $0x3E80  }
0x60: {  	s31 =	smov.u32 s25;
	s24 =	simm.s32 @!p0 $0x0;
	[sflag:s16] =	ssyncset.done $0x0  }
0x61: {  	p1 =	por p3, p3;
	s17 =	sadd.s32 $0xFFFFFF80, s28;
	[sflag:s16] =	ssyncadd.s32 $0xFFFFC180  }
0x62: {  	[tilespmem:s18], [sflag:$0x2] =	stream.indirect.gather [hbm4b:s1+s19], $0x80, s17, s19, $0xb8;
	[tilespmem:$0x1F000] =	vst v63  }
0x63: {  	_ =	swait.ge [sflag:s23], $0x3E80  }
0x64: {  	[sflag:s23] =	ssyncset.done $0x0  }
0x65: {  	s4 =	sor.u32 $0x2880, s4;
	[sflag:s23] =	ssyncadd.s32 $0xFFFFC180  }
0x66: {  	[spmem:s2] =	stream.indirect.scatter.add.f32 [tilespmem:s21], [sflag:$0x4], $0x80, s4, s19, $0xb8;
	[tilespmem:$0x1F000] =	vst v63  }
.Ltmp1:
0x67: {  	_ = 	snop;
	(pc) =	sbr.rel @p2 .LBB2_4-.Ltmp1, $4  }
0x68: {  	_ =	swait.ge [sflag:s16], $0x3E80  }
0x69: {  	s30 =	sadd.s32 $0x2, s30;
	[sflag:s16] =	ssyncset.done $0x0  }
0x6a: {  	s28 =	sadd.s32 $0x100, s28;
	s17 =	sand.u32 $0x6, s30;
	[sflag:s16] =	ssyncadd.s32 $0xFFFFC180  }
0x6b: {  	[tilespmem:s21], [sflag:$0x3] =	stream.indirect.gather [hbm4b:s1+s19], $0x80, s0, s19, $0xb8;
	[tilespmem:$0x1F000] =	vst v63  }
0x6c: {  	p2 =	sne.s32 s17, $0x0  }
0x6d: {  	[tilespmem:s3], [sflag:$0x1] =	stream.linear.gather @!p0 [hbm4b:s20+s24], $0x400, $0x38;
	[tilespmem:$0x1F000] =	vst v63  }
0x6e: {  	s0 =	simm.s32 @!p2 $0x1  }
0x6f: {  	s3 =	sshrl.u32 s31, $0x2;
	_ =	swait.ge @!p2 [sflag:s0], $0x400  }
0x70: {  	s4 =	sshll.u32 s3, $0x3;
	[sflag:s0] =	ssyncset.done @!p2 $0x0  }
0x71: {  	s20 =	sand.u32 $0x8, s4;
	[sflag:s0] =	ssyncadd.s32 @!p2 $0xFFFFFC00  }
0x72: {  	s0 =	sor.u32 s17, s20;
	_ =	swait.ge [sflag:s22], $0x3E80  }
0x73: {  	s0 =	sshll.u32 s0, $0x7;
	[sflag:s22] =	ssyncset.done $0x0  }
0x74: {  	s24 =	sor.u32 $0x2800, s0;
	[sflag:s22] =	ssyncadd.s32 $0xFFFFC180  }
0x75: {  	[spmem:s2] =	stream.indirect.scatter.add.f32 [tilespmem:s18], [sflag:$0x4], $0x80, s24, s19, $0xb8;
	[tilespmem:$0x1F000] =	vst v63  }
0x76: {  	_ =	swait.ge [sflag:s16], $0x3E80  }
0x77: {  	[sflag:s16] =	ssyncset.done $0x0  }
0x78: {  	s25 =	sadd.s32 $0xFFFFFF80, s28;
	[sflag:s16] =	ssyncadd.s32 $0xFFFFC180  }
0x79: {  	[tilespmem:s18], [sflag:$0x2] =	stream.indirect.gather [hbm4b:s1+s19], $0x80, s25, s19, $0xb8;
	[tilespmem:$0x1F000] =	vst v63  }
0x7a: {  	p0 =	sne.s32 @!p1 s17, $0x4;
	_ =	swait.ge [sflag:s23], $0x3E80  }
0x7b: {  	p0 =	por p0, p1;
	[sflag:s23] =	ssyncset.done $0x0  }
0x7c: {  	s3 =	sshll.u32 @!p0 s3, $0xA;
	s0 =	sor.u32 $0x2880, s0;
	[sflag:s23] =	ssyncadd.s32 $0xFFFFC180  }
0x7d: {  	[spmem:s2] =	stream.indirect.scatter.add.f32 [tilespmem:s21], [sflag:$0x4], $0x80, s0, s19, $0xb8;
	[tilespmem:$0x1F000] =	vst v63  }
0x7e: {  	s0 =	sadd.s32 @!p0 $0x400, s3;
	_ =	swait.ge [sflag:s16], $0x3E80  }
0x7f: {  	s3 =	sadd.s32 @!p0 s0, s6;
	[sflag:s16] =	ssyncset.done $0x0  }
0x80: {  	s0 =	sand.u32 @!p0 $0x400, s0;
	s3 =	sshrl.u32 @!p0 s3, $0x3;
	[sflag:s16] =	ssyncadd.s32 $0xFFFFC180  }
0x81: {  	[tilespmem:s21], [sflag:$0x3] =	stream.indirect.gather [hbm4b:s1+s19], $0x80, s28, s19, $0xb8;
	[tilespmem:$0x1F000] =	vst v63  }
0x82: {  	s4 =	simm.s32 @!p0 $0x0;
	s0 =	sor.u32 @!p0 $0x2800, s0;
	s3 =	sadd.s32 @!p0 s5, s3  }
0x83: {  	[tilespmem:s0], [sflag:$0x1] =	stream.linear.gather @!p0 [hbm4b:s3+s4], $0x400, $0x38;
	[tilespmem:$0x1F000] =	vst v63  }
0x84: {  	_ =	swait.ge [sflag:s22], $0x3E80  }
0x85: {  	[sflag:s22] =	ssyncset.done $0x0  }
0x86: {  	s28 =	simm.s32 $0x2F00;
	[sflag:s22] =	ssyncadd.s32 $0xFFFFC180  }
0x87: {  	[spmem:s2] =	stream.indirect.scatter.add.f32 [tilespmem:s18], [sflag:$0x4], $0x80, s28, s19, $0xb8;
	[tilespmem:$0x1F000] =	vst v63  }
0x88: {  	_ =	swait.ge [sflag:s16], $0x3E80  }
0x89: {  	[sflag:s16] =	ssyncset.done $0x0  }
0x8a: {  	[sflag:s16] =	ssyncadd.s32 $0xFFFFC180  }
0x8b: {  	_ =	swait.ge [sflag:s23], $0x3E80  }
0x8c: {  	[sflag:s23] =	ssyncset.done $0x0  }
0x8d: {  	s29 =	simm.s32 $0x2F80;
	[sflag:s23] =	ssyncadd.s32 $0xFFFFC180  }
0x8e: {  	[spmem:s2] =	stream.indirect.scatter.add.f32 [tilespmem:s21], [sflag:$0x4], $0x80, s29, s19, $0xb8;
	[tilespmem:$0x1F000] =	vst v63  }
0x8f: {  	s30 =	stileid.u32;
	_ =	swait.ge [sflag:s16], $0x3E80  }
0x90: {  	s31 =	sshrl.u32 s8, $0x3;
	s26 =	sadd.s32 $0x1, s26;
	[sflag:s16] =	ssyncset.done $0x0  }
0x91: {  	s0 =	sshll.u32 s30, $0x6;
	p0 =	sne.s32 s26, s15;
	[sflag:s16] =	ssyncadd.s32 $0xFFFFC180  }
.Ltmp2:
0x92: {  	s0 =	sor.u32 $0x1C04, s0;
	[bflag:$0x0] =	sbarrier.arrive $0xFFFF;
	(pc) =	sbr.rel @p0 .LBB2_1-.Ltmp2, $4  }
0x93: {  	[hbm:s14], [sflag:s0] =	dma.local [spmem:s31], $0x2800  }
0x94: {  	_ =	swait.ge [sflag:s16], $0x2800  }
0x95: {  	[sflag:s16] =	ssyncset.done $0x0  }
0x96: {  	[sflag:s16] =	ssyncadd.s32 $0xFFFFD800  }
0x97: {  	_ =	sfence.sel $0x180000  }
0x98: {  	[bflag:$0x0] =	sbarrier.arrive $0xFFFF  }
0x99: {  	_ =	strace $0x9000004A  }
0x9a: {  	s0 =	stileid.u32;
	[bflag:$0x2] =	sbarrier.arrive $0xFFFF  }
0x9b: {  	p0 =	sne.s32 s0, $0x0;
	s0 =	rddreg [dreg:$0x3]  }
0x9c: {  	s0 =	sadd.s32 @!p0 $0x100000, s0  }
0x9d: {  	[sflag:s0] =	ssyncadd.tile.s32 @!p0 $0x1;
	_ =	shalt  }
.Lfunc_end2:
_tile_overlayer_lowered:
.L_overlay_start_2:
0x9e: {  	(tag) =	ssettag $0x2  }
0x9f: {  	s0 =	rddreg [dreg:$0x0];
	s2 =	stileid.u32  }
0xa0: {  	s1 =	rddreg [dreg:$0x1];
	p0 =	sne.s32 s2, $0x0  }
0xa1: {  	s3 =	rddreg [dreg:$0x2];
	[bflag:$0x3] =	sbarrier.arrive $0xFFFF;
	s2 =	simm.s32 @!p0 $0x1C04  }
0xa2: {  	[timem:s3], [sflag:s2] =	dma.local @!p0 [hbm:s0], s1  }
0xa3: {  	s0 =	simm.s32 @!p0 $0x4  }
0xa4: {  	_ =	swait.ge @!p0 [sflag:s0], s1  }
0xa5: {  	s1 =	ssub.s32 @!p0 $0x0, s1;
	[sflag:s0] =	ssyncset.done @!p0 $0x0  }
0xa6: {  	[sflag:s0] =	ssyncadd.s32 @!p0 s1  }
0xa7: {  	[bflag:$0x3] =	sbarrier.arrive $0xFFFF  }
0xa8: {  	_ =	shalt  }

// kernel: kernel.8.cloned.1.call-start
scs
__scs_entry_jumppad:
0x0: {  	(pc) =	sbr.rel $0x88, $3  }
0x1: {  	(tag) =	ssettag $0x0;
	lr =	simm.s32 $0x1  }
0x2: {  	[smem:$0x3F99] =	sst lr;
	_ =	strace $0xD0000000  }
0x3: {  	_ = 	snop  }
0x4: {  	_ = 	snop  }
0x5: {  	_ = 	snop  }
0x6: {  	_ = 	snop  }
0x7: {  	_ = 	snop  }
__scs_overlays_trampoline_lowered:
0x8: {  	[smem:$0x3FA8] =	sst s0  }
0x9: {  	[smem:$0x3FA9] =	sst s1  }
0xa: {  	[smem:$0x3FAA] =	sst s2  }
0xb: {  	[smem:$0x3FAB] =	sst s3  }
0xc: {  	[smem:$0x3FAC] =	sst s4  }
0xd: {  	[smem:$0x3FAD] =	sst s5  }
0xe: {  	[smem:$0x3FAE] =	sst s6  }
0xf: {  	[smem:$0x3FAF] =	sst s7  }
0x10: {  	[smem:$0x3FB0] =	sst s8  }
0x11: {  	[smem:$0x3FB1] =	sst s9;
	s0 =	simm.s32 @!p0 $0x0  }
0x12: {  	s1 =	sld [smem:$0x3F97];
	s0 =	simm.s32 @p0 $0x1  }
0x13: {  	[smem:$0x3FB2] =	sst s0;
	s0 =	simm.s32 @!p1 $0x0  }
0x14: {  	s2 =	sld [smem:$0x3F96];
	s0 =	simm.s32 @p1 $0x1  }
0x15: {  	[smem:$0x3FB3] =	sst s0;
	s0 =	simm.s32 @!p2 $0x0  }
0x16: {  	s3 =	sld [smem:$0x3FDB];
	s0 =	simm.s32 @p2 $0x1  }
0x17: {  	s4 =	simm.s32 $0x1BF5;
	[smem:$0x3FB5] =	sst s0  }
0x18: {  	s0 =	sld [smem:$0x3F98];
	_ =	swait.ge [sflag:s4], $0x0  }
0x19: {  	s7 =	sld [smem:$0x3F99]  }
0x1a: {  	s8 =	sadd.s32 $0xFFFFE003, lr  }
0x1b: {  	s9 =	sadd.s32 $0xFFFFFEF7, lr;
	s5 =	simm.s32 $0xFFFFFFFF;
	p2 =	slt.u32 s8, $0xFFFFF086  }
0x1c: {  	p1 =	slt.u32 s9, $0xF7A;
	s5 =	simm.s32 @!p2 $0x0  }
0x1d: {  	s5 =	simm.s32 @p1 $0x1;
	p0 =	seq.s32 s7, s2  }
0x1e: {  	s7 =	smul.u32 @!p0 $0xF7A, s2;
	p2 =	seq.s32 @!p0 s5, $0x0  }
0x1f: {  	s9 =	smul.u32 $0xF7A, s1;
	s8 =	simm.s32 @!p0 $0x1BF5;
	p2 =	por !p2, p0  }
0x20: {  	[sflag:s8] =	ssyncset.s32 @!p0 $0xFFFFF086;
	s6 =	sadd.s32 @!p0 s3, s7;
	s7 =	simm.s32 @!p0 $0x108  }
0x21: {  	s3 =	sadd.s32 s3, s9;
	s6 =	sadd.s32 @!p0 $0x88, s6;
	s7 =	simm.s32 @p2 $0x1082  }
0x22: {  	[simem:s7], [sflag:s8] =	dma.local @!p0 [hbm:s6], $0xF7A  }
0x23: {  	s9 =	sor.u32 $0xD0000000, s2;
	s6 =	simm.s32 $0x108;
	_ =	swait.ge @!p0 [sflag:s8], $0x0  }
0x24: {  	s3 =	sadd.s32 $0x88, s3;
	s6 =	simm.s32 @!p1 $0x1082;
	[sflag:s4] =	ssyncset.s32 $0xFFFFF086  }
0x25: {  	[simem:s6], [sflag:s4] =	dma.local [hbm:s3], $0xF7A  }
0x26: {  	[smem:$0x3F99] =	sst s1;
	(tag) =	ssettag s2;
	_ =	strace s9  }
0x27: {  	s1 =	sld [smem:$0x3FA9]  }
0x28: {  	s2 =	sld [smem:$0x3FAA]  }
0x29: {  	s4 =	sld [smem:$0x3FAC]  }
0x2a: {  	p0 =	seq.s32 s5, $0x0;
	s5 =	sld [smem:$0x3FAD]  }
0x2b: {  	s6 =	sld [smem:$0x3FAE]  }
0x2c: {  	s7 =	sld [smem:$0x3FAF]  }
0x2d: {  	s3 =	simm.s32 $0x108;
	s8 =	sld [smem:$0x3FB0]  }
0x2e: {  	s3 =	simm.s32 @!p0 $0x1082;
	s9 =	sld [smem:$0x3FB1]  }
0x2f: {  	lr =	sadd.s32 s0, s3;
	s0 =	sld [smem:$0x3FA8]  }
0x30: {  	s3 =	sld [smem:$0x3FAB]  }
0x31: {  	[smem:$0x3FB4] =	sst s10  }
0x32: {  	s10 =	sld [smem:$0x3FB2];
	_ =	sdelay $0x3  }
0x33: {  	p0 =	seq.s32 s10, $0x1;
	s10 =	sld [smem:$0x3FB4];
	_ =	sdelay $0x3  }
0x34: {  	[smem:$0x3FB4] =	sst s10  }
0x35: {  	s10 =	sld [smem:$0x3FB3];
	_ =	sdelay $0x3  }
0x36: {  	p1 =	seq.s32 s10, $0x1;
	s10 =	sld [smem:$0x3FB4];
	_ =	sdelay $0x3  }
0x37: {  	[smem:$0x3FB4] =	sst s10  }
0x38: {  	s10 =	sld [smem:$0x3FB5]  }
0x39: {  	_ = 	snop;
	(pc) =	sbr.ind lr, $3  }
0x3a: {  	_ = 	snop  }
0x3b: {  	_ = 	snop  }
0x3c: {  	p2 =	seq.s32 s10, $0x1;
	s10 =	sld [smem:$0x3FB4]  }
0x3d: {  	_ =	shalt  }
0x3e: {  	_ =	shalt  }
0x3f: {  	_ =	shalt  }
0x40: {  	_ =	shalt  }
0x41: {  	_ =	shalt  }
0x42: {  	_ =	shalt  }
0x43: {  	_ =	shalt  }
0x44: {  	_ =	shalt  }
0x45: {  	_ =	shalt  }
0x46: {  	_ =	shalt  }
0x47: {  	_ =	shalt  }
0x48: {  	_ =	shalt  }
0x49: {  	_ =	shalt  }
0x4a: {  	_ =	shalt  }
0x4b: {  	_ =	shalt  }
0x4c: {  	_ =	shalt  }
0x4d: {  	_ =	shalt  }
0x4e: {  	_ =	shalt  }
0x4f: {  	_ =	shalt  }
0x50: {  	_ =	shalt  }
0x51: {  	_ =	shalt  }
0x52: {  	_ =	shalt  }
0x53: {  	_ =	shalt  }
0x54: {  	_ =	shalt  }
0x55: {  	_ =	shalt  }
0x56: {  	_ =	shalt  }
0x57: {  	_ =	shalt  }
0x58: {  	_ =	shalt  }
0x59: {  	_ =	shalt  }
0x5a: {  	_ =	shalt  }
0x5b: {  	_ =	shalt  }
0x5c: {  	_ =	shalt  }
0x5d: {  	_ =	shalt  }
0x5e: {  	_ =	shalt  }
0x5f: {  	_ =	shalt  }
0x60: {  	_ =	shalt  }
0x61: {  	_ =	shalt  }
0x62: {  	_ =	shalt  }
0x63: {  	_ =	shalt  }
0x64: {  	_ =	shalt  }
0x65: {  	_ =	shalt  }
0x66: {  	_ =	shalt  }
0x67: {  	_ =	shalt  }
0x68: {  	_ =	shalt  }
0x69: {  	_ =	shalt  }
0x6a: {  	_ =	shalt  }
0x6b: {  	_ =	shalt  }
0x6c: {  	_ =	shalt  }
0x6d: {  	_ =	shalt  }
0x6e: {  	_ =	shalt  }
0x6f: {  	_ =	shalt  }
0x70: {  	_ =	shalt  }
0x71: {  	_ =	shalt  }
0x72: {  	_ =	shalt  }
0x73: {  	_ =	shalt  }
0x74: {  	_ =	shalt  }
0x75: {  	_ =	shalt  }
0x76: {  	_ =	shalt  }
0x77: {  	_ =	shalt  }
0x78: {  	_ =	shalt  }
0x79: {  	_ =	shalt  }
0x7a: {  	_ =	shalt  }
0x7b: {  	_ =	shalt  }
0x7c: {  	_ =	shalt  }
0x7d: {  	_ =	shalt  }
0x7e: {  	_ =	shalt  }
0x7f: {  	_ =	shalt  }
0x80: {  	_ =	shalt  }
0x81: {  	_ =	shalt  }
0x82: {  	_ =	shalt  }
0x83: {  	_ =	shalt  }
0x84: {  	_ =	shalt  }
0x85: {  	_ =	shalt  }
0x86: {  	_ =	shalt  }
0x87: {  	_ =	shalt  }
.Lfunc_end0:
.L_simem_size_0:
called_computation_lowered:
.L_overlay_start_0:
0x88: {  	s2 =	sld [smem:$0x3FD9]  }
0x89: {  	s3 =	sld [smem:$0x3FFE];
	_ =	sdelay $0x1  }
0x8a: {  	s1 =	srdreg.scid  }
0x8b: {  	s0 =	sand.u32 $0x1, s1  }
0x8c: {  	s17 =	sshll.u32 s0, $0xA;
	s2 =	sadd.s32 s3, s2  }
0x8d: {  	s2 =	sadd.s32 s2, s17  }
0x8e: {  	[smem:$0x3FC0] =	sst s2  }
0x8f: {  	_ = 	snop  }
0x90: {  	s2 =	sld [smem:$0x3FC9]  }
0x91: {  	s18 =	sld [smem:$0x3FD0];
	(tm) =	ssettm $0x1  }
0x92: {  	s4 =	sld [smem:$0x3FFB];
	_ =	sdelay $0x3  }
0x93: {  	_ =	strace s4  }
0x94: {  	s4 =	sld [smem:$0x3FFC];
	_ =	sdelay $0x3  }
0x95: {  	_ =	strace s4  }
0x96: {  	s4 =	sld [smem:$0x3FFD];
	_ =	sdelay $0x3  }
0x97: {  	_ =	strace s4  }
0x98: {  	_ =	strace $0x8FFFFFFF  }
0x99: {  	s19 =	sld [smem:$0x3FDB];
	_ =	sdelay $0x1  }
0x9a: {  	s5 =	simm.s32 $_scs_section_size  }
0x9b: {  	s6 =	simm.s32 $_size__tile_overlayer_lowered;
	s7 =	simm.s32 $_tile_overlayer_lowered  }
0x9c: {  	s22 =	simm.s32 $0x1BFF;
	s21 =	sshll.u32 s7, $0x1;
	s4 =	sadd.s32 s5, s19  }
0x9d: {  	s8 =	simm.s32 $0x0;
	s20 =	sshll.u32 s6, $0x1;
	s6 =	sadd.s32 s21, s4  }
0x9e: {  	[timem:s8], [sflag:s22] =	dma.local [hbm:s6], s20  }
0x9f: {  	_ =	swait.ge [sflag:s22], s20  }
0xa0: {  	s5 =	ssub.s32 $0x0, s20;
	[sflag:s22] =	ssyncset.done $0x0  }
0xa1: {  	[sflag:s22] =	ssyncadd.s32 s5;
	_ =	sdelay $0x1  }
0xa2: {  	s23 =	simm.s32 $0x1B8B  }
0xa3: {  	_ =	swait.ge [sflag:s23], $0x1  }
0xa4: {  	[sflag:s23] =	ssyncset.done $0x0  }
0xa5: {  	s25 =	simm.s32 $0x1B8E;
	s24 =	sld [smem:$0x3FFE];
	[sflag:s23] =	ssyncadd.s32 $0xFFFFFFFF  }
0xa6: {  	s26 =	simm.s32 $execute0_lowered;
	[smem:$0x3FD2] =	sst s25  }
0xa7: {  	s6 =	sshll.u32 s26, $0x1;
	_ =	strace $0x80000046;
	[dreg:$0x1] =	wrdreg $0xFFFFFFFF  }
0xa8: {  	s28 =	simm.s32 $_size_execute0_lowered;
	s4 =	sadd.s32 s4, s6;
	[dreg:$0x0] =	wrdreg $0x0  }
0xa9: {  	s6 =	sshll.u32 s28, $0x1;
	[dreg:$0x2] =	wrdreg s4  }
0xaa: {  	[dreg:$0x3] =	wrdreg s6  }
0xab: {  	[dreg:$0x4] =	wrdreg $0xC0  }
0xac: {  	_ =	task [dreg:s8], $0x5FFFF  }
0xad: {  	[dreg:$0x1] =	wrdreg $0xFFFFFFFF  }
0xae: {  	[dreg:$0x0] =	wrdreg $0x60  }
0xaf: {  	[dreg:$0x2] =	wrdreg s2  }
0xb0: {  	[dreg:$0x3] =	wrdreg s24  }
0xb1: {  	[dreg:$0x4] =	wrdreg s18  }
0xb2: {  	[dreg:$0x5] =	wrdreg $0xB3000  }
0xb3: {  	[dreg:$0x6] =	wrdreg $0x1F3000  }
0xb4: {  	[dreg:$0x7] =	wrdreg $0x9  }
0xb5: {  	_ =	task.clear_ibuf [dreg:s8], $0x8FFFF;
	_ =	strace $0x90000046  }
0xb6: {  	s29 =	simm.s32 $0x9;
	_ =	strace $0x80000048  }
0xb7: {  	_ =	swait.ge [sflag:s29], $0x1  }
0xb8: {  	[sflag:s29] =	ssyncadd.s32 $0xFFFFFFFF  }
0xb9: {  	_ =	strace $0x90000048  }
0xba: {  	_ =	sfence  }
0xbb: {  	s30 =	sld [smem:$0x0];
	_ =	sdelay $0x2  }
0xbc: {  	s31 =	sshll.u32 s1, $0xD;
	s1 =	sshrl.u32 s1, $0x2  }
0xbd: {  	s3 =	sand.u32 $0x4000, s31;
	s1 =	sadd.s32 s1, s30  }
0xbe: {  	s0 =	sor.u32 s3, s0;
	s1 =	sshll.u32 s1, $0x11  }
0xbf: {  	s0 =	sor.u32 s1, s0  }
0xc0: {  	s0 =	sadd.s32 $0x8F2B, s0  }
0xc1: {  	[sflag:s0] =	ssyncadd.remote.s32 $0x1  }
0xc2: {  	_ =	sfence.sel $0xFFFF  }
0xc3: {  	[dreg:$0x0] =	wrdreg $0xFFFFFFFF;
	(pc) =	sbr.abs _section_cstart, $3  }
0xc4: {  	[dreg:$0x1] =	wrdreg $0xFFFFFFFF  }
0xc5: {  	_ =	task.clear_ibuf [dreg:s8], $0x2FFFF;
	_ =	strace $0x9FFFFFFF  }
0xc6: {  	(tm) =	ssettm $0x7FFFFFFF  }
0xc7: {  	_ =	shalt  }
tec
execute0_lowered:
.L_overlay_start_1:
0x0: {  	(tag) =	ssettag $0x1  }
0x1: {  	s1 =	rddreg [dreg:$0x0]  }
0x2: {  	s0 =	rddreg [dreg:$0x1]  }
0x3: {  	s4 =	rddreg [dreg:$0x2]  }
0x4: {  	s2 =	rddreg [dreg:$0x3]  }
0x5: {  	s3 =	rddreg [dreg:$0x4]  }
0x6: {  	s5 =	srdreg.scid;
	s12 =	stileid.u32  }
0x7: {  	s6 =	simm.s32 $0x0;
	s28 =	simm.s32 $0xB000;
	s8 =	smul.u32 $0x14000, s12  }
0x8: {  	s29 =	simm.s32 $0x3;
	s30 =	simm.s32 $0x2F00;
	s11 =	smul.u32 $0x50000, s12  }
0x9: {  	s31 =	simm.s32 $0x2F80;
	s5 =	sand.u32 $0x1, s5;
	s20 =	smul.u32 $0xA00, s12  }
0xa: {  	[smem:$0x7FF] =	sst s6;
	s6 =	sadd.s32 $0x2600, s0;
	s22 =	smul.u32 $0x500, s12  }
0xb: {  	s7 =	smul.u32 $0x140000, s5;
	s9 =	sshll.u32 s5, $0x4;
	_ =	strace $0x80000047  }
0xc: {  	s13 =	ssub.s32 $0x2, s5;
	s5 =	sshll.u32 s5, $0x7;
	s9 =	sor.u32 s12, s9  }
0xd: {  	s10 =	sshrl.u32 s13, $0x1;
	s18 =	sshrl.u32 s11, $0x2;
	s9 =	smul.u32 $0x2800, s9  }
0xe: {  	s11 =	sshrl.u32 s20, $0x2;
	s5 =	sor.u32 s5, s22;
	s7 =	sadd.s32 s8, s7  }
0xf: {  	s14 =	ssub.s32 s13, s10;
	s7 =	sshrl.u32 s7, $0x3;
	s17 =	sshrl.u32 s9, $0x3  }
0x10: {  	s15 =	sadd.s32 s11, s3;
	s0 =	sadd.s32 s7, s0;
	s8 =	sadd.s32 s6, s17  }
0x11: {  	[dreg:$0x6] =	wrdreg s8;
	s8 =	sadd.s32 $0x50000, s9;
	s9 =	sadd.s32 s18, s2  }
0x12: {  	s26 =	sshrl.u32 s5, $0x3;
	s16 =	sadd.s32 $0x16600, s0;
	s21 =	sadd.s32 $0x4000, s9  }
0x13: {  	s17 =	sadd.s32 s4, s26;
	s23 =	sadd.s32 $0x8000, s9;
	[dreg:$0x8] =	wrdreg s21  }
0x14: {  	s26 =	simm.s32 $0x2;
	s24 =	sadd.s32 $0xC000, s9;
	[dreg:$0x9] =	wrdreg s23  }
0x15: {  	s19 =	sshrl.u32 s8, $0x3;
	s25 =	sadd.s32 $0x10000, s9;
	[dreg:$0xa] =	wrdreg s24  }
0x16: {  	s18 =	smax.u32 s14, $0x1;
	s10 =	sadd.s32 s6, s19;
	[dreg:$0xb] =	wrdreg s25  }
0x17: {  	s19 =	simm.s32 $0x4;
	s21 =	simm.s32 $0x3000;
	s23 =	simm.s32 $0x7D  }
0x18: {  	v0 =	vimm.f32 $0.0e+00;
	v1 =	vimm.f32 $1.000000000e+00;
	s25 =	simm.s32 $0x7000;
	s24 =	simm.s32 $0x0;
	[dreg:$0x7] =	wrdreg s10  }
.LBB2_1:
0x19: {  	s0 =	simm.s32 $0x0;
	s4 =	rddreg [dreg:$0x6]  }
0x1a: {  	[tilespmem:s0], [sflag:$0x4] =	stream.linear.gather [hbm4b:s4+s0], $0x2800, $0x38;
	[tilespmem:$0x1F580] =	vst v63  }
0x1b: {  	_ =	swait.ge [sflag:s19], $0x2800  }
0x1c: {  	[sflag:s19] =	ssyncset.done $0x0  }
0x1d: {  	s5 =	simm.s32 $0x2800;
	s22 =	rddreg [dreg:$0x7];
	[sflag:s19] =	ssyncadd.s32 $0xFFFFD800  }
0x1e: {  	[tilespmem:s5], [sflag:$0x1] =	stream.linear.gather [hbm4b:s22+s0], $0x400, $0x38;
	[tilespmem:$0x1F580] =	vst v63  }
0x1f: {  	s4 =	simm.s32 $0x200;
	s0 =	simm.s32 $0x0  }
.LBB2_2:
0x20: {  	p0 =	sne.s32 s4, $0xFE00;
	[tilespmem:s0+$0x3070] =	vst v0  }
0x21: {  	[tilespmem:s0+$0x3000] =	vst v0  }
0x22: {  	[tilespmem:s0+$0x3010] =	vst v0  }
.Ltmp0:
0x23: {  	[tilespmem:s0+$0x3020] =	vst v0;
	(pc) =	sbr.rel @p0 .LBB2_2-.Ltmp0, $4  }
0x24: {  	[tilespmem:s0+$0x3030] =	vst v0  }
0x25: {  	[tilespmem:s0+$0x3040] =	vst v0  }
0x26: {  	[tilespmem:s0+$0x3050] =	vst v0  }
0x27: {  	[tilespmem:s0+$0x3060] =	vst v0;
	s0 =	sshra.s32 s4, $0x2;
	s4 =	sadd.s32 $0x200, s4  }
0x28: {  	[tilespmem:s0+$0x3070] =	vst v0  }
0x29: {  	[tilespmem:s0+$0x3000] =	vst v0  }
0x2a: {  	[tilespmem:s0+$0x3010] =	vst v0  }
0x2b: {  	[tilespmem:s0+$0x3020] =	vst v0  }
0x2c: {  	[tilespmem:s0+$0x3030] =	vst v0  }
0x2d: {  	[tilespmem:s0+$0x3040] =	vst v0  }
0x2e: {  	[tilespmem:s0+$0x3050] =	vst v0  }
0x2f: {  	[tilespmem:s0+$0x3060] =	vst v0  }
0x30: {  	[spmem:s9] =	stream.linear.scatter [tilespmem:s21], [sflag:$0x4], $0x4000, $0x38;
	[tilespmem:$0x1F580] =	vst v63  }
0x31: {  	_ =	swait.ge [sflag:s19], $0x4000  }
0x32: {  	[sflag:s19] =	ssyncset.done $0x0  }
0x33: {  	s4 =	rddreg [dreg:$0x8];
	[sflag:s19] =	ssyncadd.s32 $0xFFFFC000  }
0x34: {  	[spmem:s4] =	stream.linear.scatter [tilespmem:s21], [sflag:$0x4], $0x4000, $0x38;
	[tilespmem:$0x1F580] =	vst v63  }
0x35: {  	_ =	swait.ge [sflag:s19], $0x4000  }
0x36: {  	[sflag:s19] =	ssyncset.done $0x0  }
0x37: {  	s5 =	rddreg [dreg:$0x9];
	[sflag:s19] =	ssyncadd.s32 $0xFFFFC000  }
0x38: {  	[spmem:s5] =	stream.linear.scatter [tilespmem:s21], [sflag:$0x4], $0x4000, $0x38;
	[tilespmem:$0x1F580] =	vst v63  }
0x39: {  	_ =	swait.ge [sflag:s19], $0x4000  }
0x3a: {  	[sflag:s19] =	ssyncset.done $0x0  }
0x3b: {  	s7 =	rddreg [dreg:$0xa];
	[sflag:s19] =	ssyncadd.s32 $0xFFFFC000  }
0x3c: {  	[spmem:s7] =	stream.linear.scatter [tilespmem:s21], [sflag:$0x4], $0x4000, $0x38;
	[tilespmem:$0x1F580] =	vst v63  }
0x3d: {  	_ =	swait.ge [sflag:s19], $0x4000  }
0x3e: {  	[sflag:s19] =	ssyncset.done $0x0  }
0x3f: {  	s10 =	rddreg [dreg:$0xb];
	[sflag:s19] =	ssyncadd.s32 $0xFFFFC000  }
0x40: {  	[spmem:s10] =	stream.linear.scatter [tilespmem:s21], [sflag:$0x4], $0x4000, $0x38;
	[tilespmem:$0x1F580] =	vst v63  }
0x41: {  	_ =	swait.ge [sflag:s19], $0x4000  }
0x42: {  	[sflag:s19] =	ssyncset.done $0x0  }
0x43: {  	[sflag:s19] =	ssyncadd.s32 $0xFFFFC000  }
0x44: {  	[tilespmem:$0xB080] =	vst v0  }
0x45: {  	[tilespmem:$0xB090] =	vst v0  }
0x46: {  	[tilespmem:$0xB0A0] =	vst v0  }
0x47: {  	[tilespmem:$0xB0B0] =	vst v0  }
0x48: {  	[tilespmem:$0xB0C0] =	vst v0  }
0x49: {  	[tilespmem:$0xB0D0] =	vst v0  }
0x4a: {  	[tilespmem:$0xB0E0] =	vst v0  }
0x4b: {  	[tilespmem:$0xB0F0] =	vst v0  }
0x4c: {  	[tilespmem:$0xB100] =	vst v0  }
0x4d: {  	[tilespmem:$0xB110] =	vst v0  }
0x4e: {  	[tilespmem:$0xB120] =	vst v0  }
0x4f: {  	[tilespmem:$0xB130] =	vst v0  }
0x50: {  	[tilespmem:$0xB140] =	vst v0  }
0x51: {  	[tilespmem:$0xB150] =	vst v0  }
0x52: {  	[tilespmem:$0xB160] =	vst v0  }
0x53: {  	[tilespmem:$0xB170] =	vst v0  }
0x54: {  	[tilespmem:$0xB180] =	vst v0  }
0x55: {  	[tilespmem:$0xB190] =	vst v0  }
0x56: {  	[tilespmem:$0xB1A0] =	vst v0  }
0x57: {  	[tilespmem:$0xB1B0] =	vst v0  }
0x58: {  	[tilespmem:$0xB1C0] =	vst v0  }
0x59: {  	[tilespmem:$0xB1D0] =	vst v0  }
0x5a: {  	[tilespmem:$0xB1E0] =	vst v0  }
0x5b: {  	[tilespmem:$0xB1F0] =	vst v0  }
0x5c: {  	[tilespmem:$0xB200] =	vst v0  }
0x5d: {  	[tilespmem:$0xB210] =	vst v0  }
0x5e: {  	[tilespmem:$0xB220] =	vst v0  }
0x5f: {  	[tilespmem:$0xB230] =	vst v0  }
0x60: {  	[tilespmem:$0xB240] =	vst v0  }
0x61: {  	[tilespmem:$0xB250] =	vst v0  }
0x62: {  	[tilespmem:$0xB260] =	vst v0  }
0x63: {  	[tilespmem:$0xB270] =	vst v0  }
0x64: {  	[tilespmem:$0xB280] =	vst v0  }
0x65: {  	[tilespmem:$0xB290] =	vst v0  }
0x66: {  	[tilespmem:$0xB2A0] =	vst v0  }
0x67: {  	[tilespmem:$0xB2B0] =	vst v0  }
0x68: {  	[tilespmem:$0xB2C0] =	vst v0  }
0x69: {  	[tilespmem:$0xB2D0] =	vst v0  }
0x6a: {  	[tilespmem:$0xB2E0] =	vst v0  }
0x6b: {  	s11 =	simm.s32 $0xB080;
	[tilespmem:$0xB2F0] =	vst v0  }
0x6c: {  	[spmem:s15] =	stream.linear.scatter [tilespmem:s11], [sflag:$0x4], $0x280, $0x38;
	[tilespmem:$0x1F580] =	vst v63  }
0x6d: {  	_ =	swait.ge [sflag:s19], $0x280  }
0x6e: {  	[sflag:s19] =	ssyncset.done $0x0  }
0x6f: {  	[sflag:s19] =	ssyncadd.s32 $0xFFFFFD80  }
0x70: {  	[tilespmem:$0xB000] =	vst v1  }
0x71: {  	[tilespmem:$0xB010] =	vst v1  }
0x72: {  	[tilespmem:$0xB020] =	vst v1  }
0x73: {  	[tilespmem:$0xB030] =	vst v1  }
0x74: {  	[tilespmem:$0xB040] =	vst v1  }
0x75: {  	[tilespmem:$0xB050] =	vst v1  }
0x76: {  	s12 =	simm.s32 $0x0;
	[tilespmem:$0xB060] =	vst v1  }
0x77: {  	s0 =	sand.u32 $0x6, s12;
	[tilespmem:$0xB070] =	vst v1  }
0x78: {  	[tilespmem:s21], [sflag:$0x2] =	stream.indirect.gather [hbm4b:s1+s23], $0x80, s12, s23, $0xb8;
	[tilespmem:$0x1F580] =	vst v63  }
0x79: {  	p0 =	sne.s32 s0, $0x0;
	s4 =	simm.s32 $0x80  }
0x7a: {  	[tilespmem:s25], [sflag:$0x3] =	stream.indirect.gather [hbm4b:s1+s23], $0x80, s4, s23, $0xb8;
	[tilespmem:$0x1F580] =	vst v63  }
0x7b: {  	s4 =	simm.s32 @!p0 $0x1;
	[bflag:$0x0] =	sbarrier.arrive $0xFFFF  }
0x7c: {  	_ =	swait.ge @!p0 [sflag:s4], $0x400  }
0x7d: {  	s5 =	simm.s32 $0x0;
	[sflag:s4] =	ssyncset.done @!p0 $0x0  }
0x7e: {  	s13 =	sand.u32 $0x8, s5;
	[sflag:s4] =	ssyncadd.s32 @!p0 $0xFFFFFC00  }
0x7f: {  	s4 =	sor.u32 s0, s13;
	_ =	swait.ge [sflag:s26], $0x3E80  }
0x80: {  	s4 =	sshll.u32 s4, $0x7;
	[sflag:s26] =	ssyncset.done $0x0  }
0x81: {  	s14 =	sor.u32 $0x2800, s4;
	[sflag:s26] =	ssyncadd.s32 $0xFFFFC180  }
0x82: {  	[spmem:s2] =	stream.indirect.scatter.add.f32 [tilespmem:s21], [sflag:$0x4], $0x80, s14, s23, $0xb8;
	[tilespmem:$0x1F580] =	vst v63  }
0x83: {  	_ =	swait.ge [sflag:s19], $0x3E80  }
0x84: {  	[sflag:s19] =	ssyncset.done $0x0  }
0x85: {  	[sflag:s19] =	ssyncadd.s32 $0xFFFFC180  }
0x86: {  	[spmem:s3] =	stream.indirect.scatter.add.f32 [tilespmem:s28], [sflag:$0x4], $0x1, s14, s23, $0xb8;
	[tilespmem:$0x1F580] =	vst v63  }
0x87: {  	_ =	swait.ge [sflag:s19], $0x7D  }
0x88: {  	[sflag:s19] =	ssyncset.done $0x0  }
0x89: {  	s20 =	simm.s32 $0x100;
	[sflag:s19] =	ssyncadd.s32 $0xFFFFFF83  }
0x8a: {  	[tilespmem:s21], [sflag:$0x2] =	stream.indirect.gather [hbm4b:s1+s23], $0x80, s20, s23, $0xb8;
	[tilespmem:$0x1F580] =	vst v63  }
0x8b: {  	p1 =	por $0x0, $0x0;
	_ =	swait.ge [sflag:s29], $0x3E80  }
0x8c: {  	p6 =	por $0x0, $0x0;
	p1 =	por p1, p1;
	[sflag:s29] =	ssyncset.done $0x0  }
0x8d: {  	p0 =	por p6, p6;
	s22 =	sor.u32 $0x2880, s4;
	[sflag:s29] =	ssyncadd.s32 $0xFFFFC180  }
0x8e: {  	[spmem:s2] =	stream.indirect.scatter.add.f32 [tilespmem:s25], [sflag:$0x4], $0x80, s22, s23, $0xb8;
	[tilespmem:$0x1F580] =	vst v63  }
0x8f: {  	s10 =	simm.s32 $0x180;
	p2 =	sne.s32 @!p0 s0, $0x4;
	_ =	swait.ge [sflag:s19], $0x3E80  }
0x90: {  	s4 =	simm.s32 $0x1;
	p0 =	por p2, p0;
	[sflag:s19] =	ssyncset.done $0x0  }
0x91: {  	s0 =	simm.s32 @!p0 $0x400;
	s5 =	sadd.s32 @!p0 $0x400, s8;
	[sflag:s19] =	ssyncadd.s32 $0xFFFFC180  }
0x92: {  	[spmem:s3] =	stream.indirect.scatter.add.f32 [tilespmem:s28], [sflag:$0x4], $0x1, s22, s23, $0xb8;
	[tilespmem:$0x1F580] =	vst v63  }
0x93: {  	s12 =	simm.s32 @!p0 $0x0;
	s0 =	sand.u32 @!p0 $0x400, s0;
	_ =	swait.ge [sflag:s19], $0x7D  }
0x94: {  	s5 =	sshrl.u32 @!p0 s5, $0x3;
	s7 =	sor.u32 @!p0 $0x2800, s0;
	[sflag:s19] =	ssyncset.done $0x0  }
0x95: {  	s0 =	simm.s32 $0x280;
	s22 =	simm.s32 $0x2;
	[sflag:s19] =	ssyncadd.s32 $0xFFFFFF83  }
0x96: {  	[tilespmem:s25], [sflag:$0x3] =	stream.indirect.gather [hbm4b:s1+s23], $0x80, s10, s23, $0xb8;
	[tilespmem:$0x1F580] =	vst v63  }
0x97: {  	s20 =	simm.s32 $0x2;
	s11 =	sand.u32 $0x6, s22;
	s10 =	sadd.s32 @!p0 s6, s5  }
.LBB2_4:
0x98: {  	p3 =	sgt.u32 s20, $0x23;
	p4 =	sne.s32 s11, $0x0  }
0x99: {  	s13 =	smov.u32 s20;
	s20 =	sadd.s32 $0x1, s20;
	s5 =	smov.u32 s0  }
0x9a: {  	p5 =	sne.s32 @!p1 s11, $0x4;
	p2 =	sne.s32 s20, $0x27;
	s14 =	simm.s32 @!p4 $0x1  }
0x9b: {  	[tilespmem:s7], [sflag:$0x1] =	stream.linear.gather @!p0 [hbm4b:s10+s12], $0x400, $0x38;
	[tilespmem:$0x1F580] =	vst v63  }
0x9c: {  	s4 =	sshrl.u32 s4, $0x2;
	p0 =	por p5, p1;
	_ =	swait.ge @!p4 [sflag:s14], $0x400  }
0x9d: {  	s7 =	sshll.u32 s4, $0x3;
	s4 =	sshll.u32 @!p0 s4, $0xA;
	[sflag:s14] =	ssyncset.done @!p4 $0x0  }
0x9e: {  	s7 =	sand.u32 $0x8, s7;
	s4 =	sadd.s32 @!p0 $0x400, s4;
	[sflag:s14] =	ssyncadd.s32 @!p4 $0xFFFFFC00  }
0x9f: {  	s7 =	sor.u32 s11, s7;
	s10 =	sadd.s32 @!p0 s4, s8;
	_ =	swait.ge [sflag:s26], $0x3E80  }
0xa0: {  	s11 =	sshll.u32 s7, $0x7;
	s4 =	sand.u32 @!p0 $0x400, s4;
	[sflag:s26] =	ssyncset.done $0x0  }
0xa1: {  	s14 =	sor.u32 $0x2800, s11;
	s10 =	sshrl.u32 @!p0 s10, $0x3;
	[sflag:s26] =	ssyncadd.s32 $0xFFFFC180  }
0xa2: {  	[spmem:s2] =	stream.indirect.scatter.add.f32 [tilespmem:s21], [sflag:$0x4], $0x80, s14, s23, $0xb8;
	[tilespmem:$0x1F580] =	vst v63  }
0xa3: {  	s7 =	sor.u32 @!p0 $0x2800, s4;
	s10 =	sadd.s32 @!p0 s6, s10;
	_ =	swait.ge [sflag:s19], $0x3E80  }
0xa4: {  	s12 =	simm.s32 @!p0 $0x0;
	s4 =	smov.u32 s13;
	[sflag:s19] =	ssyncset.done $0x0  }
0xa5: {  	p1 =	por p3, p3;
	[sflag:s19] =	ssyncadd.s32 $0xFFFFC180  }
0xa6: {  	[spmem:s3] =	stream.indirect.scatter.add.f32 [tilespmem:s28], [sflag:$0x4], $0x1, s14, s23, $0xb8;
	[tilespmem:$0x1F580] =	vst v63  }
0xa7: {  	_ =	swait.ge [sflag:s19], $0x7D  }
0xa8: {  	[sflag:s19] =	ssyncset.done $0x0  }
0xa9: {  	s13 =	sadd.s32 $0xFFFFFF80, s0;
	[sflag:s19] =	ssyncadd.s32 $0xFFFFFF83  }
0xaa: {  	[tilespmem:s21], [sflag:$0x2] =	stream.indirect.gather [hbm4b:s1+s23], $0x80, s13, s23, $0xb8;
	[tilespmem:$0x1F580] =	vst v63  }
0xab: {  	_ =	swait.ge [sflag:s29], $0x3E80  }
0xac: {  	[sflag:s29] =	ssyncset.done $0x0  }
0xad: {  	s11 =	sor.u32 $0x2880, s11;
	[sflag:s29] =	ssyncadd.s32 $0xFFFFC180  }
0xae: {  	[spmem:s2] =	stream.indirect.scatter.add.f32 [tilespmem:s25], [sflag:$0x4], $0x80, s11, s23, $0xb8;
	[tilespmem:$0x1F580] =	vst v63  }
0xaf: {  	_ =	swait.ge [sflag:s19], $0x3E80  }
0xb0: {  	[sflag:s19] =	ssyncset.done $0x0  }
0xb1: {  	[sflag:s19] =	ssyncadd.s32 $0xFFFFC180  }
0xb2: {  	[spmem:s3] =	stream.indirect.scatter.add.f32 [tilespmem:s28], [sflag:$0x4], $0x1, s11, s23, $0xb8;
	[tilespmem:$0x1F580] =	vst v63  }
.Ltmp1:
0xb3: {  	_ = 	snop;
	(pc) =	sbr.rel @p2 .LBB2_4-.Ltmp1, $4  }
0xb4: {  	_ =	swait.ge [sflag:s19], $0x7D  }
0xb5: {  	s22 =	sadd.s32 $0x2, s22;
	[sflag:s19] =	ssyncset.done $0x0  }
0xb6: {  	s0 =	sadd.s32 $0x100, s0;
	s11 =	sand.u32 $0x6, s22;
	[sflag:s19] =	ssyncadd.s32 $0xFFFFFF83  }
0xb7: {  	[tilespmem:s25], [sflag:$0x3] =	stream.indirect.gather [hbm4b:s1+s23], $0x80, s5, s23, $0xb8;
	[tilespmem:$0x1F580] =	vst v63  }
0xb8: {  	[tilespmem:s7], [sflag:$0x1] =	stream.linear.gather @!p0 [hbm4b:s10+s12], $0x400, $0x38;
	[tilespmem:$0x1F580] =	vst v63  }
0xb9: {  	p0 =	sne.s32 s11, $0x0  }
0xba: {  	s5 =	simm.s32 @!p0 $0x1  }
0xbb: {  	s4 =	sshrl.u32 s4, $0x2;
	_ =	swait.ge @!p0 [sflag:s5], $0x400  }
0xbc: {  	s14 =	sshll.u32 s4, $0x3;
	[sflag:s5] =	ssyncset.done @!p0 $0x0  }
0xbd: {  	s20 =	sand.u32 $0x8, s14;
	[sflag:s5] =	ssyncadd.s32 @!p0 $0xFFFFFC00  }
0xbe: {  	s5 =	sor.u32 s11, s20;
	_ =	swait.ge [sflag:s26], $0x3E80  }
0xbf: {  	s5 =	sshll.u32 s5, $0x7;
	[sflag:s26] =	ssyncset.done $0x0  }
0xc0: {  	s22 =	sor.u32 $0x2800, s5;
	[sflag:s26] =	ssyncadd.s32 $0xFFFFC180  }
0xc1: {  	[spmem:s2] =	stream.indirect.scatter.add.f32 [tilespmem:s21], [sflag:$0x4], $0x80, s22, s23, $0xb8;
	[tilespmem:$0x1F580] =	vst v63  }
0xc2: {  	_ =	swait.ge [sflag:s19], $0x3E80  }
0xc3: {  	[sflag:s19] =	ssyncset.done $0x0  }
0xc4: {  	[sflag:s19] =	ssyncadd.s32 $0xFFFFC180  }
0xc5: {  	[spmem:s3] =	stream.indirect.scatter.add.f32 [tilespmem:s28], [sflag:$0x4], $0x1, s22, s23, $0xb8;
	[tilespmem:$0x1F580] =	vst v63  }
0xc6: {  	_ =	swait.ge [sflag:s19], $0x7D  }
0xc7: {  	[sflag:s19] =	ssyncset.done $0x0  }
0xc8: {  	s10 =	sadd.s32 $0xFFFFFF80, s0;
	[sflag:s19] =	ssyncadd.s32 $0xFFFFFF83  }
0xc9: {  	[tilespmem:s21], [sflag:$0x2] =	stream.indirect.gather [hbm4b:s1+s23], $0x80, s10, s23, $0xb8;
	[tilespmem:$0x1F580] =	vst v63  }
0xca: {  	_ =	swait.ge [sflag:s29], $0x3E80  }
0xcb: {  	[sflag:s29] =	ssyncset.done $0x0  }
0xcc: {  	s5 =	sor.u32 $0x2880, s5;
	[sflag:s29] =	ssyncadd.s32 $0xFFFFC180  }
0xcd: {  	[spmem:s2] =	stream.indirect.scatter.add.f32 [tilespmem:s25], [sflag:$0x4], $0x80, s5, s23, $0xb8;
	[tilespmem:$0x1F580] =	vst v63  }
0xce: {  	p0 =	sne.s32 @!p1 s11, $0x4;
	_ =	swait.ge [sflag:s19], $0x3E80  }
0xcf: {  	p0 =	por p0, p1;
	[sflag:s19] =	ssyncset.done $0x0  }
0xd0: {  	s4 =	sshll.u32 @!p0 s4, $0xA;
	[sflag:s19] =	ssyncadd.s32 $0xFFFFC180  }
0xd1: {  	[spmem:s3] =	stream.indirect.scatter.add.f32 [tilespmem:s28], [sflag:$0x4], $0x1, s5, s23, $0xb8;
	[tilespmem:$0x1F580] =	vst v63  }
0xd2: {  	s4 =	sadd.s32 @!p0 $0x400, s4;
	_ =	swait.ge [sflag:s19], $0x7D  }
0xd3: {  	s5 =	sadd.s32 @!p0 s4, s8;
	[sflag:s19] =	ssyncset.done $0x0  }
0xd4: {  	s4 =	sand.u32 @!p0 $0x400, s4;
	s5 =	sshrl.u32 @!p0 s5, $0x3;
	[sflag:s19] =	ssyncadd.s32 $0xFFFFFF83  }
0xd5: {  	[tilespmem:s25], [sflag:$0x3] =	stream.indirect.gather [hbm4b:s1+s23], $0x80, s0, s23, $0xb8;
	[tilespmem:$0x1F580] =	vst v63  }
0xd6: {  	s0 =	sor.u32 @!p0 $0x2800, s4;
	s4 =	sadd.s32 @!p0 s6, s5;
	s5 =	simm.s32 @!p0 $0x0  }
0xd7: {  	[tilespmem:s0], [sflag:$0x1] =	stream.linear.gather @!p0 [hbm4b:s4+s5], $0x400, $0x38;
	[tilespmem:$0x1F580] =	vst v63  }
0xd8: {  	_ =	swait.ge [sflag:s26], $0x3E80  }
0xd9: {  	[sflag:s26] =	ssyncset.done $0x0  }
0xda: {  	[sflag:s26] =	ssyncadd.s32 $0xFFFFC180  }
0xdb: {  	[spmem:s2] =	stream.indirect.scatter.add.f32 [tilespmem:s21], [sflag:$0x4], $0x80, s30, s23, $0xb8;
	[tilespmem:$0x1F580] =	vst v63  }
0xdc: {  	_ =	swait.ge [sflag:s19], $0x3E80  }
0xdd: {  	[sflag:s19] =	ssyncset.done $0x0  }
0xde: {  	[sflag:s19] =	ssyncadd.s32 $0xFFFFC180  }
0xdf: {  	[spmem:s3] =	stream.indirect.scatter.add.f32 [tilespmem:s28], [sflag:$0x4], $0x1, s30, s23, $0xb8;
	[tilespmem:$0x1F580] =	vst v63  }
0xe0: {  	_ =	swait.ge [sflag:s19], $0x7D  }
0xe1: {  	[sflag:s19] =	ssyncset.done $0x0  }
0xe2: {  	[sflag:s19] =	ssyncadd.s32 $0xFFFFFF83  }
0xe3: {  	_ =	swait.ge [sflag:s29], $0x3E80  }
0xe4: {  	[sflag:s29] =	ssyncset.done $0x0  }
0xe5: {  	[sflag:s29] =	ssyncadd.s32 $0xFFFFC180  }
0xe6: {  	[spmem:s2] =	stream.indirect.scatter.add.f32 [tilespmem:s25], [sflag:$0x4], $0x80, s31, s23, $0xb8;
	[tilespmem:$0x1F580] =	vst v63  }
0xe7: {  	_ =	swait.ge [sflag:s19], $0x3E80  }
0xe8: {  	[sflag:s19] =	ssyncset.done $0x0  }
0xe9: {  	[sflag:s19] =	ssyncadd.s32 $0xFFFFC180  }
0xea: {  	[spmem:s3] =	stream.indirect.scatter.add.f32 [tilespmem:s28], [sflag:$0x4], $0x1, s31, s23, $0xb8;
	[tilespmem:$0x1F580] =	vst v63  }
0xeb: {  	_ =	swait.ge [sflag:s19], $0x7D  }
0xec: {  	s11 =	stileid.u32;
	[sflag:s19] =	ssyncset.done $0x0  }
0xed: {  	s12 =	sshrl.u32 s9, $0x3;
	s0 =	sshll.u32 s11, $0x6;
	[sflag:s19] =	ssyncadd.s32 $0xFFFFFF83  }
0xee: {  	s13 =	sshrl.u32 s15, $0x3;
	s0 =	sor.u32 $0x1C04, s0;
	[bflag:$0x0] =	sbarrier.arrive $0xFFFF  }
0xef: {  	[hbm:s16], [sflag:s0] =	dma.local [spmem:s12], $0x2800  }
0xf0: {  	s24 =	sadd.s32 $0x1, s24;
	s14 =	simm.s32 $0x1;
	_ =	swait.ge [sflag:s19], $0x2800  }
0xf1: {  	s20 =	simm.s32 $0x20;
	p0 =	sne.s32 s24, s18;
	[sflag:s19] =	ssyncset.done $0x0  }
.Ltmp2:
0xf2: {  	s22 =	simm.s32 $0x10;
	[sflag:s19] =	ssyncadd.s32 $0xFFFFD800;
	(pc) =	sbr.rel @p0 .LBB2_1-.Ltmp2, $4  }
0xf3: {  	[hbm:s17@s20], [sflag:s0] =	dma.strided [spmem:s13@s22], $0x50, s14, $0x10   }
0xf4: {  	_ =	swait.ge [sflag:s19], $0x50  }
0xf5: {  	[sflag:s19] =	ssyncset.done $0x0  }
0xf6: {  	[sflag:s19] =	ssyncadd.s32 $0xFFFFFFB0  }
0xf7: {  	_ =	sfence.sel $0x180000  }
0xf8: {  	[bflag:$0x0] =	sbarrier.arrive $0xFFFF  }
0xf9: {  	_ =	strace $0x90000047  }
0xfa: {  	s0 =	stileid.u32;
	[bflag:$0x2] =	sbarrier.arrive $0xFFFF  }
0xfb: {  	p0 =	sne.s32 s0, $0x0;
	s0 =	rddreg [dreg:$0x5]  }
0xfc: {  	s0 =	sadd.s32 @!p0 $0x100000, s0  }
0xfd: {  	[sflag:s0] =	ssyncadd.tile.s32 @!p0 $0x1;
	_ =	shalt  }
.Lfunc_end2:
_tile_overlayer_lowered:
.L_overlay_start_2:
0xfe: {  	(tag) =	ssettag $0x2  }
0xff: {  	s0 =	rddreg [dreg:$0x0];
	s2 =	stileid.u32  }
0x100: {  	s1 =	rddreg [dreg:$0x1];
	p0 =	sne.s32 s2, $0x0  }
0x101: {  	s3 =	rddreg [dreg:$0x2];
	[bflag:$0x3] =	sbarrier.arrive $0xFFFF;
	s2 =	simm.s32 @!p0 $0x1C04  }
0x102: {  	[timem:s3], [sflag:s2] =	dma.local @!p0 [hbm:s0], s1  }
0x103: {  	s0 =	simm.s32 @!p0 $0x4  }
0x104: {  	_ =	swait.ge @!p0 [sflag:s0], s1  }
0x105: {  	s1 =	ssub.s32 @!p0 $0x0, s1;
	[sflag:s0] =	ssyncset.done @!p0 $0x0  }
0x106: {  	[sflag:s0] =	ssyncadd.s32 @!p0 s1  }
0x107: {  	[bflag:$0x3] =	sbarrier.arrive $0xFFFF  }
0x108: {  	_ =	shalt  }

</sc_bundles>
